<compile_context>
chip_gen: v7x
topology: tpu7x:2x2x1
jax: 0.10.2.dev20260603
libtpu: 0.0.44.dev20260713+nightly
codegen_flags: <defaults>
</compile_context>

<pallas_src>
import functools

import jax
import jax.numpy as jnp
from jax import lax
from jax.experimental import pallas as pl
from jax.experimental.pallas import tpu as pltpu
from jax.experimental.pallas import tpu_sc as plsc

_N = 100000
_E = 6400000
_M = 1000
_KE = 27.211386245988 * 0.52917721067
_CUTOFF = 10.0
_SHIFT = 1.0 / _CUTOFF
_SCALE = 0.5 * _KE

_NW = 32
_EPT = _E // _NW
_C = 2000
_NCHUNK = _EPT // _C
_NPAIR = _NCHUNK // 2
_GROUPS = _C // 16
_MPAD = 1024

_TCB = 128000


def _pot_body(x_ref, y_ref, z_ref, o_ref):
    x = x_ref[...]
    y = y_ref[...]
    z = z_ref[...]
    r2 = x * x + y * y + z * z
    u = lax.rsqrt(r2)
    s2 = jnp.float32(_SHIFT * _SHIFT)
    pot = u * (1.0 + s2 * r2) - jnp.float32(2.0 * _SHIFT)
    pot = pot * jnp.float32(_SCALE)
    o_ref[...] = jnp.where(r2 <= jnp.float32(_CUTOFF * _CUTOFF), pot, 0.0)


_pot_call = pl.pallas_call(
    _pot_body,
    grid=(_E // _TCB,),
    in_specs=[pl.BlockSpec((_TCB,), lambda i: (i,))] * 3,
    out_specs=pl.BlockSpec((_TCB,), lambda i: (i,)),
    out_shape=jax.ShapeDtypeStruct((_E,), jnp.float32),
)


def _body(tbl_hbm, idxi_hbm, idxj_hbm, pot_hbm, out_hbm,
          tbl_v, idxi_v, idxj_v, pot_v, acc_v, tmp_v, shared, sem_a, sem_b):
    c = lax.axis_index("c")
    s = lax.axis_index("s")
    wid = s * 2 + c
    base_e = wid * _EPT

    def _fire(ci, half, sem):
        eb = base_e + ci * _C
        o = half * _C
        pltpu.async_copy(idxi_hbm.at[pl.ds(eb, _C)], idxi_v.at[pl.ds(o, _C)], sem)
        pltpu.async_copy(idxj_hbm.at[pl.ds(eb, _C)], idxj_v.at[pl.ds(o, _C)], sem)
        pltpu.async_copy(pot_hbm.at[pl.ds(eb, _C)], pot_v.at[pl.ds(o, _C)], sem)

    def _drain(ci, half, sem):
        eb = base_e + ci * _C
        o = half * _C
        pltpu.make_async_copy(idxi_hbm.at[pl.ds(eb, _C)], idxi_v.at[pl.ds(o, _C)], sem).wait()
        pltpu.make_async_copy(idxj_hbm.at[pl.ds(eb, _C)], idxj_v.at[pl.ds(o, _C)], sem).wait()
        pltpu.make_async_copy(pot_hbm.at[pl.ds(eb, _C)], pot_v.at[pl.ds(o, _C)], sem).wait()

    _fire(0, 0, sem_a)

    pltpu.sync_copy(tbl_hbm, tbl_v)

    zero16 = jnp.zeros((16,), jnp.float32)

    @plsc.parallel_loop(0, (16 * _MPAD) // 16, unroll=8)
    def _zero(i):
        acc_v[pl.ds(i * 16, 16)] = zero16

    lanes = lax.iota(jnp.int32, 16)
    lane_off = lanes * _MPAD
    himask = jnp.full((16,), -65536, jnp.int32)
    lomask = jnp.full((16,), 65535, jnp.int32)

    def _compute(half):
        o = half * _C

        @plsc.parallel_loop(0, _GROUPS, unroll=5)
        def _group(k):
            b = o + k * 16
            ii = idxi_v[pl.ds(b, 16)]
            jj = idxj_v[pl.ds(b, 16)]
            wi = plsc.load_gather(tbl_v, [ii])
            wj = plsc.load_gather(tbl_v, [jj])
            qi = plsc.bitcast(wi & himask, jnp.float32)
            qj = plsc.bitcast(wj & himask, jnp.float32)
            mi = wi & lomask
            val = qi * qj * pot_v[pl.ds(b, 16)]
            plsc.addupdate_scatter(acc_v, [mi + lane_off], val)

    def _pair(p, carry):
        ci0 = 2 * p
        _fire(ci0 + 1, 1, sem_b)
        _drain(ci0, 0, sem_a)
        _compute(0)

        @pl.when(p < _NPAIR - 1)
        def _():
            _fire(ci0 + 2, 0, sem_a)
        _drain(ci0 + 1, 1, sem_b)
        _compute(1)
        return carry
    lax.fori_loop(0, _NPAIR, _pair, 0)

    def _rrow(r, carry):
        def _radd(i, inner):
            acc_v[pl.ds(i * 16, 16)] = (
                acc_v[pl.ds(i * 16, 16)] + acc_v[pl.ds(r * _MPAD + i * 16, 16)])
            return inner
        lax.fori_loop(0, _MPAD // 16, _radd, 0)
        return carry
    lax.fori_loop(1, 16, _rrow, 0)

    pltpu.sync_copy(acc_v.at[pl.ds(0, _MPAD)], shared.at[s])
    plsc.subcore_barrier()

    @pl.when(s == 0)
    def _combine():
        def _srow(r, carry):
            pltpu.sync_copy(shared.at[r], tmp_v)

            def _sadd(i, inner):
                acc_v[pl.ds(i * 16, 16)] = (
                    acc_v[pl.ds(i * 16, 16)] + tmp_v[pl.ds(i * 16, 16)])
                return inner
            lax.fori_loop(0, _MPAD // 16, _sadd, 0)
            return carry
        lax.fori_loop(1, 16, _srow, 0)
        pltpu.sync_copy(acc_v.at[pl.ds(0, _MPAD)], out_hbm.at[pl.ds(c * _MPAD, _MPAD)])


_sc_call = functools.partial(
    pl.kernel,
    out_type=jax.ShapeDtypeStruct((2 * _MPAD,), jnp.float32),
    mesh=plsc.VectorSubcoreMesh(core_axis_name="c", subcore_axis_name="s"),
    scratch_types=[
        pltpu.VMEM((_N,), jnp.int32),
        pltpu.VMEM((2 * _C,), jnp.int32),
        pltpu.VMEM((2 * _C,), jnp.int32),
        pltpu.VMEM((2 * _C,), jnp.float32),
        pltpu.VMEM((16 * _MPAD,), jnp.float32),
        pltpu.VMEM((_MPAD,), jnp.float32),
        pltpu.VMEM_SHARED((16, _MPAD), jnp.float32),
        pltpu.SemaphoreType.DMA,
        pltpu.SemaphoreType.DMA,
    ],
    compiler_params=pltpu.CompilerParams(needs_layout_passes=False),
)(_body)


def kernel(partial_charges, Rij_lr, idx_i_lr, idx_j_lr, idx_m):
    q = partial_charges.reshape(-1)
    qbits = lax.bitcast_convert_type(
        q.astype(jnp.bfloat16), jnp.uint16).astype(jnp.uint32) << 16
    tbl = lax.bitcast_convert_type(
        qbits | idx_m.astype(jnp.uint32), jnp.int32)
    ii = idx_i_lr.astype(jnp.int32)
    jj = idx_j_lr.astype(jnp.int32)
    pot = _pot_call(Rij_lr[:, 0], Rij_lr[:, 1], Rij_lr[:, 2])
    out2 = _sc_call(tbl, ii, jj, pot).reshape(2, _MPAD)
    return out2[0, :_M] + out2[1, :_M]

# --- scband reference (transcript-rebuilt; emitter-appended) ---
"""Pipeline reference for scband-energy-coulomb-28003186770545 (READ-ONLY COPY).

The authoritative reference and input builder live on the scoring server;
editing this copy changes nothing except your own understanding.
"""

import jax, jax.numpy as jnp
import numpy as np

N = 100000   # atoms
E = 6400000  # long-range neighbor pairs
M = 1000     # molecules
KE = 27.211386245988 * 0.52917721067  # Ha->eV * Bohr->Ang ~= 14.3996
CUTOFF = 10.0
SHIFT = 1.0 / CUTOFF  # coulomb_potential(cutoff) = 1/cutoff


def setup_inputs(seed: int = 0) -> dict:
    key = jax.random.key(seed)
    k1, k2, k3, k4, k5 = jax.random.split(key, 5)
    partial_charges = jax.random.normal(k1, (N, 1), dtype=jnp.float32)
    idx_m = jnp.sort(jax.random.randint(k2, (N,), 0, M).astype(jnp.int64))
    Rij_lr = jax.random.normal(k3, (E, 3), dtype=jnp.float32)
    idx_i_lr = jax.random.randint(k4, (E,), 0, N).astype(jnp.int64)
    idx_j_lr = jax.random.randint(k5, (E,), 0, N).astype(jnp.int64)
    return {
        "partial_charges": partial_charges,
        "Rij_lr": Rij_lr,
        "idx_i_lr": idx_i_lr,
        "idx_j_lr": idx_j_lr,
        "idx_m": idx_m,
    }


def reference(partial_charges, Rij_lr, idx_i_lr, idx_j_lr, idx_m):
    q = jnp.squeeze(partial_charges, -1)            # [N]
    d_ij = jnp.linalg.norm(Rij_lr, axis=1)          # [E]
    q_ij = q[idx_i_lr] * q[idx_j_lr]                # gather + gather, [E]
    potential = 1.0 / d_ij                          # bare Coulomb potential
    # cutoff shift so potential and first derivative vanish at cutoff
    potential = potential + (SHIFT ** 2) / potential - 2.0 * SHIFT
    potential = jnp.where(d_ij <= CUTOFF, potential, jnp.zeros_like(potential))
    y = jax.ops.segment_sum(q_ij * potential, idx_i_lr, num_segments=N)  # per-atom
    y = jax.ops.segment_sum(y, idx_m, num_segments=M)                    # per-molecule
    y = 0.5 * KE * y
    return y

if __name__ == "__main__":
    import jax
    _d = setup_inputs()
    print(jax.jit(kernel)(*tuple(_d.values())))

</pallas_src>

<mosaic_0001>
#map = affine_map<(d0, d1) -> (0)>
module attributes {stable_mosaic.version = 14 : i64} {
  func.func @_body(%arg0: i32, %arg1: i32, %arg2: memref<100000xi32, #tpu.memory_space<hbm>>, %arg3: memref<6400000xi32, #tpu.memory_space<hbm>>, %arg4: memref<6400000xi32, #tpu.memory_space<hbm>>, %arg5: memref<6400000xf32, #tpu.memory_space<hbm>>, %arg6: memref<2048xf32, #tpu.memory_space<hbm>>, %arg7: memref<100000xi32, #tpu.memory_space<vmem>>, %arg8: memref<4000xi32, #tpu.memory_space<vmem>>, %arg9: memref<4000xi32, #tpu.memory_space<vmem>>, %arg10: memref<4000xf32, #tpu.memory_space<vmem>>, %arg11: memref<16384xf32, #tpu.memory_space<vmem>>, %arg12: memref<1024xf32, #tpu.memory_space<vmem>>, %arg13: memref<16x1024xf32, #tpu.memory_space<vmem_shared>>, %arg14: memref<!tpu.dma_semaphore, #tpu.memory_space<semaphore_mem>>, %arg15: memref<!tpu.dma_semaphore, #tpu.memory_space<semaphore_mem>>) attributes {dimension_semantics = [#tpu.dimension_semantics<core_parallel>, #tpu.dimension_semantics<subcore_parallel>], iteration_bounds = array<i64: 2, 16>, scalar_prefetch = 0 : i64, scratch_operands = 9 : i64, tpu.core_type = #tpu.core_type<sc_vector_subcore>, window_params = [{transform_indices = #map}, {transform_indices = #map}, {transform_indices = #map}, {transform_indices = #map}, {transform_indices = #map}]} {
    %mul3A = arith.constant 2 : i32
    %mul3A_0 = arith.muli %arg1, %mul3A : i32
    %add3A = arith.addi %mul3A_0, %arg0 : i32
    %mul3A_1 = arith.constant 200000 : i32
    %mul3A_2 = arith.muli %add3A, %mul3A_1 : i32
    %add3A_3 = arith.constant 0 : i32
    %add3A_4 = arith.addi %mul3A_2, %add3A_3 : i32
    %dma_start3A = arith.constant 0 : i32
    %dma_start3A_5 = tpu.memref_slice %arg8[%dma_start3A] : memref<4000xi32, #tpu.memory_space<vmem>> -> memref<2000xi32, #tpu.memory_space<vmem>>
    %dma_start3A_6 = tpu.memref_slice %arg3[%add3A_4] : memref<6400000xi32, #tpu.memory_space<hbm>> -> memref<2000xi32, #tpu.memory_space<hbm>>
    %dma_start3A_7 = arith.constant 0 : i32
    %dma_start3A_8 = tpu.memref_slice %arg8[%dma_start3A_7] : memref<4000xi32, #tpu.memory_space<vmem>> -> memref<2000xi32, #tpu.memory_space<vmem>>
    %dma_start3A_9 = tpu.memref_slice %arg3[%add3A_4] : memref<6400000xi32, #tpu.memory_space<hbm>> -> memref<2000xi32, #tpu.memory_space<hbm>>
    tpu.enqueue_dma source(%dma_start3A_9 : memref<2000xi32, #tpu.memory_space<hbm>>) target(%dma_start3A_8 : memref<2000xi32, #tpu.memory_space<vmem>>) target_semaphore(%arg14 : memref<!tpu.dma_semaphore, #tpu.memory_space<semaphore_mem>>)
    %dma_start3A_10 = arith.constant 0 : i32
    %dma_start3A_11 = tpu.memref_slice %arg9[%dma_start3A_10] : memref<4000xi32, #tpu.memory_space<vmem>> -> memref<2000xi32, #tpu.memory_space<vmem>>
    %dma_start3A_12 = tpu.memref_slice %arg4[%add3A_4] : memref<6400000xi32, #tpu.memory_space<hbm>> -> memref<2000xi32, #tpu.memory_space<hbm>>
    %dma_start3A_13 = arith.constant 0 : i32
    %dma_start3A_14 = tpu.memref_slice %arg9[%dma_start3A_13] : memref<4000xi32, #tpu.memory_space<vmem>> -> memref<2000xi32, #tpu.memory_space<vmem>>
    %dma_start3A_15 = tpu.memref_slice %arg4[%add3A_4] : memref<6400000xi32, #tpu.memory_space<hbm>> -> memref<2000xi32, #tpu.memory_space<hbm>>
    tpu.enqueue_dma source(%dma_start3A_15 : memref<2000xi32, #tpu.memory_space<hbm>>) target(%dma_start3A_14 : memref<2000xi32, #tpu.memory_space<vmem>>) target_semaphore(%arg14 : memref<!tpu.dma_semaphore, #tpu.memory_space<semaphore_mem>>)
    %dma_start3A_16 = arith.constant 0 : i32
    %dma_start3A_17 = tpu.memref_slice %arg10[%dma_start3A_16] : memref<4000xf32, #tpu.memory_space<vmem>> -> memref<2000xf32, #tpu.memory_space<vmem>>
    %dma_start3A_18 = tpu.memref_slice %arg5[%add3A_4] : memref<6400000xf32, #tpu.memory_space<hbm>> -> memref<2000xf32, #tpu.memory_space<hbm>>
    %dma_start3A_19 = arith.constant 0 : i32
    %dma_start3A_20 = tpu.memref_slice %arg10[%dma_start3A_19] : memref<4000xf32, #tpu.memory_space<vmem>> -> memref<2000xf32, #tpu.memory_space<vmem>>
    %dma_start3A_21 = tpu.memref_slice %arg5[%add3A_4] : memref<6400000xf32, #tpu.memory_space<hbm>> -> memref<2000xf32, #tpu.memory_space<hbm>>
    tpu.enqueue_dma source(%dma_start3A_21 : memref<2000xf32, #tpu.memory_space<hbm>>) target(%dma_start3A_20 : memref<2000xf32, #tpu.memory_space<vmem>>) target_semaphore(%arg14 : memref<!tpu.dma_semaphore, #tpu.memory_space<semaphore_mem>>)
    "tpu.region"() ({
      %run_scoped3A = tpu.sem_alloc : memref<!tpu.dma_semaphore, #tpu.memory_space<semaphore_mem>>
      tpu.enqueue_dma source(%arg2 : memref<100000xi32, #tpu.memory_space<hbm>>) target(%arg7 : memref<100000xi32, #tpu.memory_space<vmem>>) target_semaphore(%run_scoped3A : memref<!tpu.dma_semaphore, #tpu.memory_space<semaphore_mem>>)
      tpu.wait_dma2 semaphore(%run_scoped3A : memref<!tpu.dma_semaphore, #tpu.memory_space<semaphore_mem>>) src(%arg2 : memref<100000xi32, #tpu.memory_space<hbm>>) dst(%arg7 : memref<100000xi32, #tpu.memory_space<vmem>>)
      tpu.yield
    }) : () -> ()
    %broadcast_in_dim3A = arith.constant 0.000000e+00 : f32
    %broadcast_in_dim3A_22 = vector.broadcast %broadcast_in_dim3A : f32 to vector<16xf32>
    %parallel_loop3A = arith.constant 0 : i32
    %parallel_loop3A_23 = arith.constant 1024 : i32
    %parallel_loop3A_24 = arith.constant 1 : i32
    scf.for %parallel_loop3A_45 = %parallel_loop3A to %parallel_loop3A_23 step %parallel_loop3A_24  : i32 {
      %parallel_loop3A_46 = arith.constant 16 : i32
      %parallel_loop3A_47 = arith.muli %parallel_loop3A_45, %parallel_loop3A_46 : i32
      %parallel_loop3A_48 = arith.index_cast %parallel_loop3A_47 : i32 to index
      %parallel_loop3A_49 = tpu.vector_load %arg11[%parallel_loop3A_48] {strides = array<i32>} : memref<16384xf32, #tpu.memory_space<vmem>>, vector<16xf32>,
      tpu.vector_store %arg11[%parallel_loop3A_48], %broadcast_in_dim3A_22 {strides = array<i32>} : memref<16384xf32, #tpu.memory_space<vmem>>, vector<16xf32>,
    } {sc.loop_unroll_factor = 8 : i64, sc.parallel_access}
    %iota3A = tpu.iota {dimensions = array<i32: 0>} : vector<16xi32>
    %mul3A_25 = arith.constant 1024 : i32
    %mul3A_26 = vector.broadcast %mul3A_25 : i32 to vector<16xi32>
    %mul3A_27 = arith.muli %iota3A, %mul3A_26 : vector<16xi32>
    %broadcast_in_dim3A_28 = arith.constant -65536 : i32
    %broadcast_in_dim3A_29 = vector.broadcast %broadcast_in_dim3A_28 : i32 to vector<16xi32>
    %broadcast_in_dim3A_30 = arith.constant 65535 : i32
    %broadcast_in_dim3A_31 = vector.broadcast %broadcast_in_dim3A_30 : i32 to vector<16xi32>
    %scan3A = arith.constant 0 : i32
    %scan3A_32 = arith.constant 0 : i32
    %scan3A_33 = arith.constant 50 : i32
    %scan3A_34 = arith.addi %scan3A_32, %scan3A_33 : i32
    %scan3A_35 = arith.constant 1 : i32
    scf.for %scan3A_45 = %scan3A_32 to %scan3A_34 step %scan3A_35  : i32 {
      %mul3A_46 = arith.constant 2 : i32
      %mul3A_47 = arith.muli %mul3A_46, %scan3A_45 : i32
      %add3A_48 = arith.constant 1 : i32
      %add3A_49 = arith.addi %mul3A_47, %add3A_48 : i32
      %mul3A_50 = arith.constant 2000 : i32
      %mul3A_51 = arith.muli %add3A_49, %mul3A_50 : i32
      %add3A_52 = arith.addi %mul3A_2, %mul3A_51 : i32
      %dma_start3A_53 = arith.constant 2000 : i32
      %dma_start3A_54 = tpu.memref_slice %arg8[%dma_start3A_53] : memref<4000xi32, #tpu.memory_space<vmem>> -> memref<2000xi32, #tpu.memory_space<vmem>>
      %dma_start3A_55 = tpu.memref_slice %arg3[%add3A_52] : memref<6400000xi32, #tpu.memory_space<hbm>> -> memref<2000xi32, #tpu.memory_space<hbm>>
      %dma_start3A_56 = arith.constant 2000 : i32
      %dma_start3A_57 = tpu.memref_slice %arg8[%dma_start3A_56] : memref<4000xi32, #tpu.memory_space<vmem>> -> memref<2000xi32, #tpu.memory_space<vmem>>
      %dma_start3A_58 = tpu.memref_slice %arg3[%add3A_52] : memref<6400000xi32, #tpu.memory_space<hbm>> -> memref<2000xi32, #tpu.memory_space<hbm>>
      tpu.enqueue_dma source(%dma_start3A_58 : memref<2000xi32, #tpu.memory_space<hbm>>) target(%dma_start3A_57 : memref<2000xi32, #tpu.memory_space<vmem>>) target_semaphore(%arg15 : memref<!tpu.dma_semaphore, #tpu.memory_space<semaphore_mem>>)
      %dma_start3A_59 = arith.constant 2000 : i32
      %dma_start3A_60 = tpu.memref_slice %arg9[%dma_start3A_59] : memref<4000xi32, #tpu.memory_space<vmem>> -> memref<2000xi32, #tpu.memory_space<vmem>>
      %dma_start3A_61 = tpu.memref_slice %arg4[%add3A_52] : memref<6400000xi32, #tpu.memory_space<hbm>> -> memref<2000xi32, #tpu.memory_space<hbm>>
      %dma_start3A_62 = arith.constant 2000 : i32
      %dma_start3A_63 = tpu.memref_slice %arg9[%dma_start3A_62] : memref<4000xi32, #tpu.memory_space<vmem>> -> memref<2000xi32, #tpu.memory_space<vmem>>
      %dma_start3A_64 = tpu.memref_slice %arg4[%add3A_52] : memref<6400000xi32, #tpu.memory_space<hbm>> -> memref<2000xi32, #tpu.memory_space<hbm>>
      tpu.enqueue_dma source(%dma_start3A_64 : memref<2000xi32, #tpu.memory_space<hbm>>) target(%dma_start3A_63 : memref<2000xi32, #tpu.memory_space<vmem>>) target_semaphore(%arg15 : memref<!tpu.dma_semaphore, #tpu.memory_space<semaphore_mem>>)
      %dma_start3A_65 = arith.constant 2000 : i32
      %dma_start3A_66 = tpu.memref_slice %arg10[%dma_start3A_65] : memref<4000xf32, #tpu.memory_space<vmem>> -> memref<2000xf32, #tpu.memory_space<vmem>>
      %dma_start3A_67 = tpu.memref_slice %arg5[%add3A_52] : memref<6400000xf32, #tpu.memory_space<hbm>> -> memref<2000xf32, #tpu.memory_space<hbm>>
      %dma_start3A_68 = arith.constant 2000 : i32
      %dma_start3A_69 = tpu.memref_slice %arg10[%dma_start3A_68] : memref<4000xf32, #tpu.memory_space<vmem>> -> memref<2000xf32, #tpu.memory_space<vmem>>
      %dma_start3A_70 = tpu.memref_slice %arg5[%add3A_52] : memref<6400000xf32, #tpu.memory_space<hbm>> -> memref<2000xf32, #tpu.memory_space<hbm>>
      tpu.enqueue_dma source(%dma_start3A_70 : memref<2000xf32, #tpu.memory_space<hbm>>) target(%dma_start3A_69 : memref<2000xf32, #tpu.memory_space<vmem>>) target_semaphore(%arg15 : memref<!tpu.dma_semaphore, #tpu.memory_space<semaphore_mem>>)
      %mul3A_71 = arith.constant 2000 : i32
      %mul3A_72 = arith.muli %mul3A_47, %mul3A_71 : i32
      %add3A_73 = arith.addi %mul3A_2, %mul3A_72 : i32
      %dma_wait3A = arith.constant 0 : i32
      %dma_wait3A_74 = tpu.memref_slice %arg8[%dma_wait3A] : memref<4000xi32, #tpu.memory_space<vmem>> -> memref<2000xi32, #tpu.memory_space<vmem>>
      %dma_wait3A_75 = tpu.memref_slice %arg3[%add3A_73] : memref<6400000xi32, #tpu.memory_space<hbm>> -> memref<2000xi32, #tpu.memory_space<hbm>>
      %dma_wait3A_76 = arith.constant 0 : i32
      %dma_wait3A_77 = tpu.memref_slice %arg8[%dma_wait3A_76] : memref<4000xi32, #tpu.memory_space<vmem>> -> memref<2000xi32, #tpu.memory_space<vmem>>
      %dma_wait3A_78 = tpu.memref_slice %arg3[%add3A_73] : memref<6400000xi32, #tpu.memory_space<hbm>> -> memref<2000xi32, #tpu.memory_space<hbm>>
      tpu.wait_dma2 semaphore(%arg14 : memref<!tpu.dma_semaphore, #tpu.memory_space<semaphore_mem>>) src(%dma_wait3A_78 : memref<2000xi32, #tpu.memory_space<hbm>>) dst(%dma_wait3A_77 : memref<2000xi32, #tpu.memory_space<vmem>>)
      %dma_wait3A_79 = arith.constant 0 : i32
      %dma_wait3A_80 = tpu.memref_slice %arg9[%dma_wait3A_79] : memref<4000xi32, #tpu.memory_space<vmem>> -> memref<2000xi32, #tpu.memory_space<vmem>>
      %dma_wait3A_81 = tpu.memref_slice %arg4[%add3A_73] : memref<6400000xi32, #tpu.memory_space<hbm>> -> memref<2000xi32, #tpu.memory_space<hbm>>
      %dma_wait3A_82 = arith.constant 0 : i32
      %dma_wait3A_83 = tpu.memref_slice %arg9[%dma_wait3A_82] : memref<4000xi32, #tpu.memory_space<vmem>> -> memref<2000xi32, #tpu.memory_space<vmem>>
      %dma_wait3A_84 = tpu.memref_slice %arg4[%add3A_73] : memref<6400000xi32, #tpu.memory_space<hbm>> -> memref<2000xi32, #tpu.memory_space<hbm>>
      tpu.wait_dma2 semaphore(%arg14 : memref<!tpu.dma_semaphore, #tpu.memory_space<semaphore_mem>>) src(%dma_wait3A_84 : memref<2000xi32, #tpu.memory_space<hbm>>) dst(%dma_wait3A_83 : memref<2000xi32, #tpu.memory_space<vmem>>)
      %dma_wait3A_85 = arith.constant 0 : i32
      %dma_wait3A_86 = tpu.memref_slice %arg10[%dma_wait3A_85] : memref<4000xf32, #tpu.memory_space<vmem>> -> memref<2000xf32, #tpu.memory_space<vmem>>
      %dma_wait3A_87 = tpu.memref_slice %arg5[%add3A_73] : memref<6400000xf32, #tpu.memory_space<hbm>> -> memref<2000xf32, #tpu.memory_space<hbm>>
      %dma_wait3A_88 = arith.constant 0 : i32
      %dma_wait3A_89 = tpu.memref_slice %arg10[%dma_wait3A_88] : memref<4000xf32, #tpu.memory_space<vmem>> -> memref<2000xf32, #tpu.memory_space<vmem>>
      %dma_wait3A_90 = tpu.memref_slice %arg5[%add3A_73] : memref<6400000xf32, #tpu.memory_space<hbm>> -> memref<2000xf32, #tpu.memory_space<hbm>>
      tpu.wait_dma2 semaphore(%arg14 : memref<!tpu.dma_semaphore, #tpu.memory_space<semaphore_mem>>) src(%dma_wait3A_90 : memref<2000xf32, #tpu.memory_space<hbm>>) dst(%dma_wait3A_89 : memref<2000xf32, #tpu.memory_space<vmem>>)
      %parallel_loop3A_91 = arith.constant 0 : i32
      %parallel_loop3A_92 = arith.constant 125 : i32
      %parallel_loop3A_93 = arith.constant 1 : i32
      scf.for %parallel_loop3A_124 = %parallel_loop3A_91 to %parallel_loop3A_92 step %parallel_loop3A_93  : i32 {
        %parallel_loop3A_125 = arith.constant 16 : i32
        %parallel_loop3A_126 = arith.muli %parallel_loop3A_124, %parallel_loop3A_125 : i32
        %parallel_loop3A_127 = arith.constant 0 : i32
        %parallel_loop3A_128 = arith.addi %parallel_loop3A_127, %parallel_loop3A_126 : i32
        %parallel_loop3A_129 = arith.index_cast %parallel_loop3A_128 : i32 to index
        %parallel_loop3A_130 = tpu.vector_load %arg8[%parallel_loop3A_129] {strides = array<i32>} : memref<4000xi32, #tpu.memory_space<vmem>>, vector<16xi32>,
        %parallel_loop3A_131 = arith.index_cast %parallel_loop3A_128 : i32 to index
        %parallel_loop3A_132 = tpu.vector_load %arg9[%parallel_loop3A_131] {strides = array<i32>} : memref<4000xi32, #tpu.memory_space<vmem>>, vector<16xi32>,
        %parallel_loop3A_133 = tpu.vector_load_idx %arg7[%parallel_loop3A_130] : memref<100000xi32, #tpu.memory_space<vmem>>[vector<16xi32>], vector<16xi32>,
        %parallel_loop3A_134 = tpu.vector_load_idx %arg7[%parallel_loop3A_132] : memref<100000xi32, #tpu.memory_space<vmem>>[vector<16xi32>], vector<16xi32>,
        %parallel_loop3A_135 = arith.andi %parallel_loop3A_133, %broadcast_in_dim3A_29 : vector<16xi32>
        %parallel_loop3A_136 = vector.bitcast %parallel_loop3A_135 : vector<16xi32> to vector<16xf32>
        %parallel_loop3A_137 = arith.andi %parallel_loop3A_134, %broadcast_in_dim3A_29 : vector<16xi32>
        %parallel_loop3A_138 = vector.bitcast %parallel_loop3A_137 : vector<16xi32> to vector<16xf32>
        %parallel_loop3A_139 = arith.andi %parallel_loop3A_133, %broadcast_in_dim3A_31 : vector<16xi32>
        %parallel_loop3A_140 = arith.mulf %parallel_loop3A_136, %parallel_loop3A_138 : vector<16xf32>
        %parallel_loop3A_141 = arith.index_cast %parallel_loop3A_128 : i32 to index
        %parallel_loop3A_142 = tpu.vector_load %arg10[%parallel_loop3A_141] {strides = array<i32>} : memref<4000xf32, #tpu.memory_space<vmem>>, vector<16xf32>,
        %parallel_loop3A_143 = arith.mulf %parallel_loop3A_140, %parallel_loop3A_142 : vector<16xf32>
        %parallel_loop3A_144 = arith.addi %parallel_loop3A_139, %mul3A_27 : vector<16xi32>
        tpu.vector_store_idx %arg11[%parallel_loop3A_144], %parallel_loop3A_143 {add = true} : memref<16384xf32, #tpu.memory_space<vmem>>[vector<16xi32>], vector<16xf32>,
      } {sc.loop_unroll_factor = 5 : i64, sc.parallel_access}
      %lt3A = arith.constant 49 : i32
      %lt3A_94 = arith.cmpi slt, %scan3A_45, %lt3A : i32
      %convert_element_type3A_95 = arith.extui %lt3A_94 : i1 to i32
      %cond3A_96 = arith.constant 0 : i32
      %cond3A_97 = arith.cmpi ne, %convert_element_type3A_95, %cond3A_96 : i32
      scf.if %cond3A_97 {
        %add3A_124 = arith.constant 2 : i32
        %add3A_125 = arith.addi %mul3A_47, %add3A_124 : i32
        %mul3A_126 = arith.constant 2000 : i32
        %mul3A_127 = arith.muli %add3A_125, %mul3A_126 : i32
        %add3A_128 = arith.addi %mul3A_2, %mul3A_127 : i32
        %dma_start3A_129 = arith.constant 0 : i32
        %dma_start3A_130 = tpu.memref_slice %arg8[%dma_start3A_129] : memref<4000xi32, #tpu.memory_space<vmem>> -> memref<2000xi32, #tpu.memory_space<vmem>>
        %dma_start3A_131 = tpu.memref_slice %arg3[%add3A_128] : memref<6400000xi32, #tpu.memory_space<hbm>> -> memref<2000xi32, #tpu.memory_space<hbm>>
        %dma_start3A_132 = arith.constant 0 : i32
        %dma_start3A_133 = tpu.memref_slice %arg8[%dma_start3A_132] : memref<4000xi32, #tpu.memory_space<vmem>> -> memref<2000xi32, #tpu.memory_space<vmem>>
        %dma_start3A_134 = tpu.memref_slice %arg3[%add3A_128] : memref<6400000xi32, #tpu.memory_space<hbm>> -> memref<2000xi32, #tpu.memory_space<hbm>>
        tpu.enqueue_dma source(%dma_start3A_134 : memref<2000xi32, #tpu.memory_space<hbm>>) target(%dma_start3A_133 : memref<2000xi32, #tpu.memory_space<vmem>>) target_semaphore(%arg14 : memref<!tpu.dma_semaphore, #tpu.memory_space<semaphore_mem>>)
        %dma_start3A_135 = arith.constant 0 : i32
        %dma_start3A_136 = tpu.memref_slice %arg9[%dma_start3A_135] : memref<4000xi32, #tpu.memory_space<vmem>> -> memref<2000xi32, #tpu.memory_space<vmem>>
        %dma_start3A_137 = tpu.memref_slice %arg4[%add3A_128] : memref<6400000xi32, #tpu.memory_space<hbm>> -> memref<2000xi32, #tpu.memory_space<hbm>>
        %dma_start3A_138 = arith.constant 0 : i32
        %dma_start3A_139 = tpu.memref_slice %arg9[%dma_start3A_138] : memref<4000xi32, #tpu.memory_space<vmem>> -> memref<2000xi32, #tpu.memory_space<vmem>>
        %dma_start3A_140 = tpu.memref_slice %arg4[%add3A_128] : memref<6400000xi32, #tpu.memory_space<hbm>> -> memref<2000xi32, #tpu.memory_space<hbm>>
        tpu.enqueue_dma source(%dma_start3A_140 : memref<2000xi32, #tpu.memory_space<hbm>>) target(%dma_start3A_139 : memref<2000xi32, #tpu.memory_space<vmem>>) target_semaphore(%arg14 : memref<!tpu.dma_semaphore, #tpu.memory_space<semaphore_mem>>)
        %dma_start3A_141 = arith.constant 0 : i32
        %dma_start3A_142 = tpu.memref_slice %arg10[%dma_start3A_141] : memref<4000xf32, #tpu.memory_space<vmem>> -> memref<2000xf32, #tpu.memory_space<vmem>>
        %dma_start3A_143 = tpu.memref_slice %arg5[%add3A_128] : memref<6400000xf32, #tpu.memory_space<hbm>> -> memref<2000xf32, #tpu.memory_space<hbm>>
        %dma_start3A_144 = arith.constant 0 : i32
        %dma_start3A_145 = tpu.memref_slice %arg10[%dma_start3A_144] : memref<4000xf32, #tpu.memory_space<vmem>> -> memref<2000xf32, #tpu.memory_space<vmem>>
        %dma_start3A_146 = tpu.memref_slice %arg5[%add3A_128] : memref<6400000xf32, #tpu.memory_space<hbm>> -> memref<2000xf32, #tpu.memory_space<hbm>>
        tpu.enqueue_dma source(%dma_start3A_146 : memref<2000xf32, #tpu.memory_space<hbm>>) target(%dma_start3A_145 : memref<2000xf32, #tpu.memory_space<vmem>>) target_semaphore(%arg14 : memref<!tpu.dma_semaphore, #tpu.memory_space<semaphore_mem>>)
      } else {
      }
      %add3A_98 = arith.constant 1 : i32
      %add3A_99 = arith.addi %mul3A_47, %add3A_98 : i32
      %mul3A_100 = arith.constant 2000 : i32
      %mul3A_101 = arith.muli %add3A_99, %mul3A_100 : i32
      %add3A_102 = arith.addi %mul3A_2, %mul3A_101 : i32
      %dma_wait3A_103 = arith.constant 2000 : i32
      %dma_wait3A_104 = tpu.memref_slice %arg8[%dma_wait3A_103] : memref<4000xi32, #tpu.memory_space<vmem>> -> memref<2000xi32, #tpu.memory_space<vmem>>
      %dma_wait3A_105 = tpu.memref_slice %arg3[%add3A_102] : memref<6400000xi32, #tpu.memory_space<hbm>> -> memref<2000xi32, #tpu.memory_space<hbm>>
      %dma_wait3A_106 = arith.constant 2000 : i32
      %dma_wait3A_107 = tpu.memref_slice %arg8[%dma_wait3A_106] : memref<4000xi32, #tpu.memory_space<vmem>> -> memref<2000xi32, #tpu.memory_space<vmem>>
      %dma_wait3A_108 = tpu.memref_slice %arg3[%add3A_102] : memref<6400000xi32, #tpu.memory_space<hbm>> -> memref<2000xi32, #tpu.memory_space<hbm>>
      tpu.wait_dma2 semaphore(%arg15 : memref<!tpu.dma_semaphore, #tpu.memory_space<semaphore_mem>>) src(%dma_wait3A_108 : memref<2000xi32, #tpu.memory_space<hbm>>) dst(%dma_wait3A_107 : memref<2000xi32, #tpu.memory_space<vmem>>)
      %dma_wait3A_109 = arith.constant 2000 : i32
      %dma_wait3A_110 = tpu.memref_slice %arg9[%dma_wait3A_109] : memref<4000xi32, #tpu.memory_space<vmem>> -> memref<2000xi32, #tpu.memory_space<vmem>>
      %dma_wait3A_111 = tpu.memref_slice %arg4[%add3A_102] : memref<6400000xi32, #tpu.memory_space<hbm>> -> memref<2000xi32, #tpu.memory_space<hbm>>
      %dma_wait3A_112 = arith.constant 2000 : i32
      %dma_wait3A_113 = tpu.memref_slice %arg9[%dma_wait3A_112] : memref<4000xi32, #tpu.memory_space<vmem>> -> memref<2000xi32, #tpu.memory_space<vmem>>
      %dma_wait3A_114 = tpu.memref_slice %arg4[%add3A_102] : memref<6400000xi32, #tpu.memory_space<hbm>> -> memref<2000xi32, #tpu.memory_space<hbm>>
      tpu.wait_dma2 semaphore(%arg15 : memref<!tpu.dma_semaphore, #tpu.memory_space<semaphore_mem>>) src(%dma_wait3A_114 : memref<2000xi32, #tpu.memory_space<hbm>>) dst(%dma_wait3A_113 : memref<2000xi32, #tpu.memory_space<vmem>>)
      %dma_wait3A_115 = arith.constant 2000 : i32
      %dma_wait3A_116 = tpu.memref_slice %arg10[%dma_wait3A_115] : memref<4000xf32, #tpu.memory_space<vmem>> -> memref<2000xf32, #tpu.memory_space<vmem>>
      %dma_wait3A_117 = tpu.memref_slice %arg5[%add3A_102] : memref<6400000xf32, #tpu.memory_space<hbm>> -> memref<2000xf32, #tpu.memory_space<hbm>>
      %dma_wait3A_118 = arith.constant 2000 : i32
      %dma_wait3A_119 = tpu.memref_slice %arg10[%dma_wait3A_118] : memref<4000xf32, #tpu.memory_space<vmem>> -> memref<2000xf32, #tpu.memory_space<vmem>>
      %dma_wait3A_120 = tpu.memref_slice %arg5[%add3A_102] : memref<6400000xf32, #tpu.memory_space<hbm>> -> memref<2000xf32, #tpu.memory_space<hbm>>
      tpu.wait_dma2 semaphore(%arg15 : memref<!tpu.dma_semaphore, #tpu.memory_space<semaphore_mem>>) src(%dma_wait3A_120 : memref<2000xf32, #tpu.memory_space<hbm>>) dst(%dma_wait3A_119 : memref<2000xf32, #tpu.memory_space<vmem>>)
      %parallel_loop3A_121 = arith.constant 0 : i32
      %parallel_loop3A_122 = arith.constant 125 : i32
      %parallel_loop3A_123 = arith.constant 1 : i32
      scf.for %parallel_loop3A_124 = %parallel_loop3A_121 to %parallel_loop3A_122 step %parallel_loop3A_123  : i32 {
        %parallel_loop3A_125 = arith.constant 16 : i32
        %parallel_loop3A_126 = arith.muli %parallel_loop3A_124, %parallel_loop3A_125 : i32
        %parallel_loop3A_127 = arith.constant 2000 : i32
        %parallel_loop3A_128 = arith.addi %parallel_loop3A_127, %parallel_loop3A_126 : i32
        %parallel_loop3A_129 = arith.index_cast %parallel_loop3A_128 : i32 to index
        %parallel_loop3A_130 = tpu.vector_load %arg8[%parallel_loop3A_129] {strides = array<i32>} : memref<4000xi32, #tpu.memory_space<vmem>>, vector<16xi32>,
        %parallel_loop3A_131 = arith.index_cast %parallel_loop3A_128 : i32 to index
        %parallel_loop3A_132 = tpu.vector_load %arg9[%parallel_loop3A_131] {strides = array<i32>} : memref<4000xi32, #tpu.memory_space<vmem>>, vector<16xi32>,
        %parallel_loop3A_133 = tpu.vector_load_idx %arg7[%parallel_loop3A_130] : memref<100000xi32, #tpu.memory_space<vmem>>[vector<16xi32>], vector<16xi32>,
        %parallel_loop3A_134 = tpu.vector_load_idx %arg7[%parallel_loop3A_132] : memref<100000xi32, #tpu.memory_space<vmem>>[vector<16xi32>], vector<16xi32>,
        %parallel_loop3A_135 = arith.andi %parallel_loop3A_133, %broadcast_in_dim3A_29 : vector<16xi32>
        %parallel_loop3A_136 = vector.bitcast %parallel_loop3A_135 : vector<16xi32> to vector<16xf32>
        %parallel_loop3A_137 = arith.andi %parallel_loop3A_134, %broadcast_in_dim3A_29 : vector<16xi32>
        %parallel_loop3A_138 = vector.bitcast %parallel_loop3A_137 : vector<16xi32> to vector<16xf32>
        %parallel_loop3A_139 = arith.andi %parallel_loop3A_133, %broadcast_in_dim3A_31 : vector<16xi32>
        %parallel_loop3A_140 = arith.mulf %parallel_loop3A_136, %parallel_loop3A_138 : vector<16xf32>
        %parallel_loop3A_141 = arith.index_cast %parallel_loop3A_128 : i32 to index
        %parallel_loop3A_142 = tpu.vector_load %arg10[%parallel_loop3A_141] {strides = array<i32>} : memref<4000xf32, #tpu.memory_space<vmem>>, vector<16xf32>,
        %parallel_loop3A_143 = arith.mulf %parallel_loop3A_140, %parallel_loop3A_142 : vector<16xf32>
        %parallel_loop3A_144 = arith.addi %parallel_loop3A_139, %mul3A_27 : vector<16xi32>
        tpu.vector_store_idx %arg11[%parallel_loop3A_144], %parallel_loop3A_143 {add = true} : memref<16384xf32, #tpu.memory_space<vmem>>[vector<16xi32>], vector<16xf32>,
      } {sc.loop_unroll_factor = 5 : i64, sc.parallel_access}
    }
    %scan3A_36 = arith.constant 50 : i32
    %scan3A_37 = arith.constant 0 : i32
    %scan3A_38 = arith.constant 1 : i32
    %scan3A_39 = arith.constant 15 : i32
    %scan3A_40 = arith.addi %scan3A_38, %scan3A_39 : i32
    %scan3A_41 = arith.constant 1 : i32
    scf.for %scan3A_45 = %scan3A_38 to %scan3A_40 step %scan3A_41  : i32 {
      %scan3A_46 = arith.constant 0 : i32
      %scan3A_47 = arith.constant 0 : i32
      %scan3A_48 = arith.constant 64 : i32
      %scan3A_49 = arith.addi %scan3A_47, %scan3A_48 : i32
      %scan3A_50 = arith.constant 1 : i32
      scf.for %scan3A_52 = %scan3A_47 to %scan3A_49 step %scan3A_50  : i32 {
        %mul3A_53 = arith.constant 16 : i32
        %mul3A_54 = arith.muli %scan3A_52, %mul3A_53 : i32
        %get3A = arith.index_cast %mul3A_54 : i32 to index
        %get3A_55 = tpu.vector_load %arg11[%get3A] {strides = array<i32>} : memref<16384xf32, #tpu.memory_space<vmem>>, vector<16xf32>,
        %mul3A_56 = arith.constant 1024 : i32
        %mul3A_57 = arith.muli %scan3A_45, %mul3A_56 : i32
        %mul3A_58 = arith.constant 16 : i32
        %mul3A_59 = arith.muli %scan3A_52, %mul3A_58 : i32
        %add3A_60 = arith.addi %mul3A_57, %mul3A_59 : i32
        %get3A_61 = arith.index_cast %add3A_60 : i32 to index
        %get3A_62 = tpu.vector_load %arg11[%get3A_61] {strides = array<i32>} : memref<16384xf32, #tpu.memory_space<vmem>>, vector<16xf32>,
        %add3A_63 = arith.addf %get3A_55, %get3A_62 : vector<16xf32>
        %mul3A_64 = arith.constant 16 : i32
        %mul3A_65 = arith.muli %scan3A_52, %mul3A_64 : i32
        %swap3A = arith.index_cast %mul3A_65 : i32 to index
        %swap3A_66 = tpu.vector_load %arg11[%swap3A] {strides = array<i32>} : memref<16384xf32, #tpu.memory_space<vmem>>, vector<16xf32>,
        tpu.vector_store %arg11[%swap3A], %add3A_63 {strides = array<i32>} : memref<16384xf32, #tpu.memory_space<vmem>>, vector<16xf32>,
      }
      %scan3A_51 = arith.constant 64 : i32
    }
    %scan3A_42 = arith.constant 15 : i32
    "tpu.region"() ({
      %run_scoped3A = tpu.sem_alloc : memref<!tpu.dma_semaphore, #tpu.memory_space<semaphore_mem>>
      %dma_start3A_45 = arith.constant 0 : i32
      %dma_start3A_46 = tpu.memref_slice %arg11[%dma_start3A_45] : memref<16384xf32, #tpu.memory_space<vmem>> -> memref<1024xf32, #tpu.memory_space<vmem>>
      %dma_start3A_47 = arith.constant 0 : i32
      %dma_start3A_48 = tpu.memref_slice %arg13[%arg1, %dma_start3A_47] : memref<16x1024xf32, #tpu.memory_space<vmem_shared>> -> memref<1x1024xf32, #tpu.memory_space<vmem_shared>>
      %dma_start3A_49 = tpu.memref_squeeze %dma_start3A_48 : memref<1x1024xf32, #tpu.memory_space<vmem_shared>> -> memref<1024xf32, #tpu.memory_space<vmem_shared>>
      %dma_start3A_50 = arith.constant 0 : i32
      %dma_start3A_51 = tpu.memref_slice %arg13[%arg1, %dma_start3A_50] : memref<16x1024xf32, #tpu.memory_space<vmem_shared>> -> memref<1x1024xf32, #tpu.memory_space<vmem_shared>>
      %dma_start3A_52 = tpu.memref_squeeze %dma_start3A_51 : memref<1x1024xf32, #tpu.memory_space<vmem_shared>> -> memref<1024xf32, #tpu.memory_space<vmem_shared>>
      %dma_start3A_53 = arith.constant 0 : i32
      %dma_start3A_54 = tpu.memref_slice %arg11[%dma_start3A_53] : memref<16384xf32, #tpu.memory_space<vmem>> -> memref<1024xf32, #tpu.memory_space<vmem>>
      tpu.enqueue_dma source(%dma_start3A_54 : memref<1024xf32, #tpu.memory_space<vmem>>) target(%dma_start3A_52 : memref<1024xf32, #tpu.memory_space<vmem_shared>>) target_semaphore(%run_scoped3A : memref<!tpu.dma_semaphore, #tpu.memory_space<semaphore_mem>>)
      %dma_wait3A = arith.constant 0 : i32
      %dma_wait3A_55 = tpu.memref_slice %arg11[%dma_wait3A] : memref<16384xf32, #tpu.memory_space<vmem>> -> memref<1024xf32, #tpu.memory_space<vmem>>
      %dma_wait3A_56 = arith.constant 0 : i32
      %dma_wait3A_57 = tpu.memref_slice %arg13[%arg1, %dma_wait3A_56] : memref<16x1024xf32, #tpu.memory_space<vmem_shared>> -> memref<1x1024xf32, #tpu.memory_space<vmem_shared>>
      %dma_wait3A_58 = tpu.memref_squeeze %dma_wait3A_57 : memref<1x1024xf32, #tpu.memory_space<vmem_shared>> -> memref<1024xf32, #tpu.memory_space<vmem_shared>>
      %dma_wait3A_59 = arith.constant 0 : i32
      %dma_wait3A_60 = tpu.memref_slice %arg13[%arg1, %dma_wait3A_59] : memref<16x1024xf32, #tpu.memory_space<vmem_shared>> -> memref<1x1024xf32, #tpu.memory_space<vmem_shared>>
      %dma_wait3A_61 = tpu.memref_squeeze %dma_wait3A_60 : memref<1x1024xf32, #tpu.memory_space<vmem_shared>> -> memref<1024xf32, #tpu.memory_space<vmem_shared>>
      %dma_wait3A_62 = arith.constant 0 : i32
      %dma_wait3A_63 = tpu.memref_slice %arg11[%dma_wait3A_62] : memref<16384xf32, #tpu.memory_space<vmem>> -> memref<1024xf32, #tpu.memory_space<vmem>>
      tpu.wait_dma2 semaphore(%run_scoped3A : memref<!tpu.dma_semaphore, #tpu.memory_space<semaphore_mem>>) src(%dma_wait3A_63 : memref<1024xf32, #tpu.memory_space<vmem>>) dst(%dma_wait3A_61 : memref<1024xf32, #tpu.memory_space<vmem_shared>>)
      tpu.yield
    }) : () -> ()
    %barrier3A = arith.constant 0 : index
    tpu.barrier barrier_id(%barrier3A)
    %eq3A = arith.constant 0 : i32
    %eq3A_43 = arith.cmpi eq, %arg1, %eq3A : i32
    %convert_element_type3A = arith.extui %eq3A_43 : i1 to i32
    %cond3A = arith.constant 0 : i32
    %cond3A_44 = arith.cmpi ne, %convert_element_type3A, %cond3A : i32
    scf.if %cond3A_44 {
      %scan3A_45 = arith.constant 0 : i32
      %scan3A_46 = arith.constant 1 : i32
      %scan3A_47 = arith.constant 15 : i32
      %scan3A_48 = arith.addi %scan3A_46, %scan3A_47 : i32
      %scan3A_49 = arith.constant 1 : i32
      scf.for %scan3A_53 = %scan3A_46 to %scan3A_48 step %scan3A_49  : i32 {
        "tpu.region"() ({
          %run_scoped3A = tpu.sem_alloc : memref<!tpu.dma_semaphore, #tpu.memory_space<semaphore_mem>>
          %dma_start3A_60 = arith.constant 0 : i32
          %dma_start3A_61 = tpu.memref_slice %arg13[%scan3A_53, %dma_start3A_60] : memref<16x1024xf32, #tpu.memory_space<vmem_shared>> -> memref<1x1024xf32, #tpu.memory_space<vmem_shared>>
          %dma_start3A_62 = tpu.memref_squeeze %dma_start3A_61 : memref<1x1024xf32, #tpu.memory_space<vmem_shared>> -> memref<1024xf32, #tpu.memory_space<vmem_shared>>
          %dma_start3A_63 = arith.constant 0 : i32
          %dma_start3A_64 = tpu.memref_slice %arg13[%scan3A_53, %dma_start3A_63] : memref<16x1024xf32, #tpu.memory_space<vmem_shared>> -> memref<1x1024xf32, #tpu.memory_space<vmem_shared>>
          %dma_start3A_65 = tpu.memref_squeeze %dma_start3A_64 : memref<1x1024xf32, #tpu.memory_space<vmem_shared>> -> memref<1024xf32, #tpu.memory_space<vmem_shared>>
          tpu.enqueue_dma source(%dma_start3A_65 : memref<1024xf32, #tpu.memory_space<vmem_shared>>) target(%arg12 : memref<1024xf32, #tpu.memory_space<vmem>>) target_semaphore(%run_scoped3A : memref<!tpu.dma_semaphore, #tpu.memory_space<semaphore_mem>>)
          %dma_wait3A = arith.constant 0 : i32
          %dma_wait3A_66 = tpu.memref_slice %arg13[%scan3A_53, %dma_wait3A] : memref<16x1024xf32, #tpu.memory_space<vmem_shared>> -> memref<1x1024xf32, #tpu.memory_space<vmem_shared>>
          %dma_wait3A_67 = tpu.memref_squeeze %dma_wait3A_66 : memref<1x1024xf32, #tpu.memory_space<vmem_shared>> -> memref<1024xf32, #tpu.memory_space<vmem_shared>>
          %dma_wait3A_68 = arith.constant 0 : i32
          %dma_wait3A_69 = tpu.memref_slice %arg13[%scan3A_53, %dma_wait3A_68] : memref<16x1024xf32, #tpu.memory_space<vmem_shared>> -> memref<1x1024xf32, #tpu.memory_space<vmem_shared>>
          %dma_wait3A_70 = tpu.memref_squeeze %dma_wait3A_69 : memref<1x1024xf32, #tpu.memory_space<vmem_shared>> -> memref<1024xf32, #tpu.memory_space<vmem_shared>>
          tpu.wait_dma2 semaphore(%run_scoped3A : memref<!tpu.dma_semaphore, #tpu.memory_space<semaphore_mem>>) src(%dma_wait3A_70 : memref<1024xf32, #tpu.memory_space<vmem_shared>>) dst(%arg12 : memref<1024xf32, #tpu.memory_space<vmem>>)
          tpu.yield
        }) : () -> ()
        %scan3A_54 = arith.constant 0 : i32
        %scan3A_55 = arith.constant 0 : i32
        %scan3A_56 = arith.constant 64 : i32
        %scan3A_57 = arith.addi %scan3A_55, %scan3A_56 : i32
        %scan3A_58 = arith.constant 1 : i32
        scf.for %scan3A_60 = %scan3A_55 to %scan3A_57 step %scan3A_58  : i32 {
          %mul3A_61 = arith.constant 16 : i32
          %mul3A_62 = arith.muli %scan3A_60, %mul3A_61 : i32
          %get3A = arith.index_cast %mul3A_62 : i32 to index
          %get3A_63 = tpu.vector_load %arg11[%get3A] {strides = array<i32>} : memref<16384xf32, #tpu.memory_space<vmem>>, vector<16xf32>,
          %mul3A_64 = arith.constant 16 : i32
          %mul3A_65 = arith.muli %scan3A_60, %mul3A_64 : i32
          %get3A_66 = arith.index_cast %mul3A_65 : i32 to index
          %get3A_67 = tpu.vector_load %arg12[%get3A_66] {strides = array<i32>} : memref<1024xf32, #tpu.memory_space<vmem>>, vector<16xf32>,
          %add3A_68 = arith.addf %get3A_63, %get3A_67 : vector<16xf32>
          %mul3A_69 = arith.constant 16 : i32
          %mul3A_70 = arith.muli %scan3A_60, %mul3A_69 : i32
          %swap3A = arith.index_cast %mul3A_70 : i32 to index
          %swap3A_71 = tpu.vector_load %arg11[%swap3A] {strides = array<i32>} : memref<16384xf32, #tpu.memory_space<vmem>>, vector<16xf32>,
          tpu.vector_store %arg11[%swap3A], %add3A_68 {strides = array<i32>} : memref<16384xf32, #tpu.memory_space<vmem>>, vector<16xf32>,
        }
        %scan3A_59 = arith.constant 64 : i32
      }
      %scan3A_50 = arith.constant 15 : i32
      %mul3A_51 = arith.constant 1024 : i32
      %mul3A_52 = arith.muli %arg0, %mul3A_51 : i32
      "tpu.region"() ({
        %run_scoped3A = tpu.sem_alloc : memref<!tpu.dma_semaphore, #tpu.memory_space<semaphore_mem>>
        %dma_start3A_53 = arith.constant 0 : i32
        %dma_start3A_54 = tpu.memref_slice %arg11[%dma_start3A_53] : memref<16384xf32, #tpu.memory_space<vmem>> -> memref<1024xf32, #tpu.memory_space<vmem>>
        %dma_start3A_55 = tpu.memref_slice %arg6[%mul3A_52] : memref<2048xf32, #tpu.memory_space<hbm>> -> memref<1024xf32, #tpu.memory_space<hbm>>
        %dma_start3A_56 = tpu.memref_slice %arg6[%mul3A_52] : memref<2048xf32, #tpu.memory_space<hbm>> -> memref<1024xf32, #tpu.memory_space<hbm>>
        %dma_start3A_57 = arith.constant 0 : i32
        %dma_start3A_58 = tpu.memref_slice %arg11[%dma_start3A_57] : memref<16384xf32, #tpu.memory_space<vmem>> -> memref<1024xf32, #tpu.memory_space<vmem>>
        tpu.enqueue_dma source(%dma_start3A_58 : memref<1024xf32, #tpu.memory_space<vmem>>) target(%dma_start3A_56 : memref<1024xf32, #tpu.memory_space<hbm>>) target_semaphore(%run_scoped3A : memref<!tpu.dma_semaphore, #tpu.memory_space<semaphore_mem>>)
        %dma_wait3A = arith.constant 0 : i32
        %dma_wait3A_59 = tpu.memref_slice %arg11[%dma_wait3A] : memref<16384xf32, #tpu.memory_space<vmem>> -> memref<1024xf32, #tpu.memory_space<vmem>>
        %dma_wait3A_60 = tpu.memref_slice %arg6[%mul3A_52] : memref<2048xf32, #tpu.memory_space<hbm>> -> memref<1024xf32, #tpu.memory_space<hbm>>
        %dma_wait3A_61 = tpu.memref_slice %arg6[%mul3A_52] : memref<2048xf32, #tpu.memory_space<hbm>> -> memref<1024xf32, #tpu.memory_space<hbm>>
        %dma_wait3A_62 = arith.constant 0 : i32
        %dma_wait3A_63 = tpu.memref_slice %arg11[%dma_wait3A_62] : memref<16384xf32, #tpu.memory_space<vmem>> -> memref<1024xf32, #tpu.memory_space<vmem>>
        tpu.wait_dma2 semaphore(%run_scoped3A : memref<!tpu.dma_semaphore, #tpu.memory_space<semaphore_mem>>) src(%dma_wait3A_63 : memref<1024xf32, #tpu.memory_space<vmem>>) dst(%dma_wait3A_61 : memref<1024xf32, #tpu.memory_space<hbm>>)
        tpu.yield
      }) : () -> ()
    } else {
    }
    return
  }
}

module attributes {stable_mosaic.version = 14 : i64} {
  func.func @_pot_body(%arg0: i32, %arg1: memref<128000xf32, #tpu.memory_space<vmem>>, %arg2: memref<128000xf32, #tpu.memory_space<vmem>>, %arg3: memref<128000xf32, #tpu.memory_space<vmem>>, %arg4: memref<128000xf32, #tpu.memory_space<vmem>>) attributes {dimension_semantics = [#tpu.dimension_semantics<arbitrary>], iteration_bounds = array<i64: 50>, scalar_prefetch = 0 : i64, scratch_operands = 0 : i64, tpu.core_type = #tpu.core_type<tc>, window_params = [{transform_indices = @transform_0, window_bounds = array<i64: 128000>}, {transform_indices = @transform_1, window_bounds = array<i64: 128000>}, {transform_indices = @transform_2, window_bounds = array<i64: 128000>}, {transform_indices = @transform_3, window_bounds = array<i64: 128000>}]} {
    %get3A = arith.constant 0 : index
    %get3A_0 = vector.load %arg1[%get3A] : memref<128000xf32, #tpu.memory_space<vmem>>, vector<128000xf32>
    %get3A_1 = arith.constant 0 : index
    %get3A_2 = vector.load %arg2[%get3A_1] : memref<128000xf32, #tpu.memory_space<vmem>>, vector<128000xf32>
    %get3A_3 = arith.constant 0 : index
    %get3A_4 = vector.load %arg3[%get3A_3] : memref<128000xf32, #tpu.memory_space<vmem>>, vector<128000xf32>
    %mul3A = arith.mulf %get3A_0, %get3A_0 : vector<128000xf32>
    %mul3A_5 = arith.mulf %get3A_2, %get3A_2 : vector<128000xf32>
    %add3A = arith.addf %mul3A, %mul3A_5 : vector<128000xf32>
    %mul3A_6 = arith.mulf %get3A_4, %get3A_4 : vector<128000xf32>
    %add3A_7 = arith.addf %add3A, %mul3A_6 : vector<128000xf32>
    %rsqrt3A = math.rsqrt %add3A_7 : vector<128000xf32>
    %mul3A_8 = arith.constant 0.00999999977 : f32
    %mul3A_9 = vector.broadcast %mul3A_8 : f32 to vector<128000xf32>
    %mul3A_10 = arith.mulf %mul3A_9, %add3A_7 : vector<128000xf32>
    %add3A_11 = arith.constant 1.000000e+00 : f32
    %add3A_12 = vector.broadcast %add3A_11 : f32 to vector<128000xf32>
    %add3A_13 = arith.addf %add3A_12, %mul3A_10 : vector<128000xf32>
    %mul3A_14 = arith.mulf %rsqrt3A, %add3A_13 : vector<128000xf32>
    %sub3A = arith.constant 2.000000e-01 : f32
    %sub3A_15 = vector.broadcast %sub3A : f32 to vector<128000xf32>
    %sub3A_16 = arith.subf %mul3A_14, %sub3A_15 : vector<128000xf32>
    %mul3A_17 = arith.constant 7.1998229 : f32
    %mul3A_18 = vector.broadcast %mul3A_17 : f32 to vector<128000xf32>
    %mul3A_19 = arith.mulf %sub3A_16, %mul3A_18 : vector<128000xf32>
    %le3A = arith.constant 1.000000e+02 : f32
    %le3A_20 = vector.broadcast %le3A : f32 to vector<128000xf32>
    %le3A_21 = arith.cmpf ole, %add3A_7, %le3A_20 : vector<128000xf32>
    %jit3A = arith.constant 0.000000e+00 : f32
    %broadcast_in_dim3A = vector.broadcast %jit3A : f32 to vector<128000xf32>
    %select_n3A = arith.select %le3A_21, %mul3A_19, %broadcast_in_dim3A : vector<128000xi1>, vector<128000xf32>
    %swap3A = arith.constant 0 : index
    %swap3A_22 = vector.load %arg4[%swap3A] : memref<128000xf32, #tpu.memory_space<vmem>>, vector<128000xf32>
    tpu.vector_store %arg4[%swap3A], %select_n3A {strides = array<i32>} : memref<128000xf32, #tpu.memory_space<vmem>>, vector<128000xf32>,
    return
  }
  func.func @transform_0(%arg0: i32) -> i32 {
    %c0_i32 = arith.constant 0 : i32
    return %arg0 : i32
  }
  func.func @transform_1(%arg0: i32) -> i32 {
    %c0_i32 = arith.constant 0 : i32
    return %arg0 : i32
  }
  func.func @transform_2(%arg0: i32) -> i32 {
    %c0_i32 = arith.constant 0 : i32
    return %arg0 : i32
  }
  func.func @transform_3(%arg0: i32) -> i32 {
    %c0_i32 = arith.constant 0 : i32
    return %arg0 : i32
  }
}

</mosaic_0001>

<sc_bundles>
// kernel: kernel.4.cloned.1.call-start
scs
__scs_entry_jumppad:
0x0: {  	(pc) =	sbr.rel $0x88, $3  }
0x1: {  	(tag) =	ssettag $0x0;
	lr =	simm.s32 $0x1  }
0x2: {  	[smem:$0x3F9C] =	sst lr;
	_ =	strace $0xD0000000  }
0x3: {  	_ = 	snop  }
0x4: {  	_ = 	snop  }
0x5: {  	_ = 	snop  }
0x6: {  	_ = 	snop  }
0x7: {  	_ = 	snop  }
__scs_overlays_trampoline_lowered:
0x8: {  	[smem:$0x3FAB] =	sst s0  }
0x9: {  	[smem:$0x3FAC] =	sst s1  }
0xa: {  	[smem:$0x3FAD] =	sst s2  }
0xb: {  	[smem:$0x3FAE] =	sst s3  }
0xc: {  	[smem:$0x3FAF] =	sst s4  }
0xd: {  	[smem:$0x3FB0] =	sst s5  }
0xe: {  	[smem:$0x3FB1] =	sst s6  }
0xf: {  	[smem:$0x3FB2] =	sst s7  }
0x10: {  	[smem:$0x3FB3] =	sst s8  }
0x11: {  	[smem:$0x3FB4] =	sst s9;
	s0 =	simm.s32 @!p0 $0x0  }
0x12: {  	s1 =	sld [smem:$0x3F9A];
	s0 =	simm.s32 @p0 $0x1  }
0x13: {  	[smem:$0x3FB5] =	sst s0;
	s0 =	simm.s32 @!p1 $0x0  }
0x14: {  	s2 =	sld [smem:$0x3F99];
	s0 =	simm.s32 @p1 $0x1  }
0x15: {  	[smem:$0x3FB6] =	sst s0;
	s0 =	simm.s32 @!p2 $0x0  }
0x16: {  	s3 =	sld [smem:$0x3FDB];
	s0 =	simm.s32 @p2 $0x1  }
0x17: {  	s4 =	simm.s32 $0x1BF5;
	[smem:$0x3FB8] =	sst s0  }
0x18: {  	s0 =	sld [smem:$0x3F9B];
	_ =	swait.ge [sflag:s4], $0x0  }
0x19: {  	s7 =	sld [smem:$0x3F9C]  }
0x1a: {  	s8 =	sadd.s32 $0xFFFFE003, lr  }
0x1b: {  	s9 =	sadd.s32 $0xFFFFFEF7, lr;
	s5 =	simm.s32 $0xFFFFFFFF;
	p2 =	slt.u32 s8, $0xFFFFF086  }
0x1c: {  	p1 =	slt.u32 s9, $0xF7A;
	s5 =	simm.s32 @!p2 $0x0  }
0x1d: {  	s5 =	simm.s32 @p1 $0x1;
	p0 =	seq.s32 s7, s2  }
0x1e: {  	s7 =	smul.u32 @!p0 $0xF7A, s2;
	p2 =	seq.s32 @!p0 s5, $0x0  }
0x1f: {  	s9 =	smul.u32 $0xF7A, s1;
	s8 =	simm.s32 @!p0 $0x1BF5;
	p2 =	por !p2, p0  }
0x20: {  	[sflag:s8] =	ssyncset.s32 @!p0 $0xFFFFF086;
	s6 =	sadd.s32 @!p0 s3, s7;
	s7 =	simm.s32 @!p0 $0x108  }
0x21: {  	s3 =	sadd.s32 s3, s9;
	s6 =	sadd.s32 @!p0 $0x88, s6;
	s7 =	simm.s32 @p2 $0x1082  }
0x22: {  	[simem:s7], [sflag:s8] =	dma.local @!p0 [hbm:s6], $0xF7A  }
0x23: {  	s9 =	sor.u32 $0xD0000000, s2;
	s6 =	simm.s32 $0x108;
	_ =	swait.ge @!p0 [sflag:s8], $0x0  }
0x24: {  	s3 =	sadd.s32 $0x88, s3;
	s6 =	simm.s32 @!p1 $0x1082;
	[sflag:s4] =	ssyncset.s32 $0xFFFFF086  }
0x25: {  	[simem:s6], [sflag:s4] =	dma.local [hbm:s3], $0xF7A  }
0x26: {  	[smem:$0x3F9C] =	sst s1;
	(tag) =	ssettag s2;
	_ =	strace s9  }
0x27: {  	s1 =	sld [smem:$0x3FAC]  }
0x28: {  	s2 =	sld [smem:$0x3FAD]  }
0x29: {  	s4 =	sld [smem:$0x3FAF]  }
0x2a: {  	p0 =	seq.s32 s5, $0x0;
	s5 =	sld [smem:$0x3FB0]  }
0x2b: {  	s6 =	sld [smem:$0x3FB1]  }
0x2c: {  	s7 =	sld [smem:$0x3FB2]  }
0x2d: {  	s3 =	simm.s32 $0x108;
	s8 =	sld [smem:$0x3FB3]  }
0x2e: {  	s3 =	simm.s32 @!p0 $0x1082;
	s9 =	sld [smem:$0x3FB4]  }
0x2f: {  	lr =	sadd.s32 s0, s3;
	s0 =	sld [smem:$0x3FAB]  }
0x30: {  	s3 =	sld [smem:$0x3FAE]  }
0x31: {  	[smem:$0x3FB7] =	sst s10  }
0x32: {  	s10 =	sld [smem:$0x3FB5];
	_ =	sdelay $0x3  }
0x33: {  	p0 =	seq.s32 s10, $0x1;
	s10 =	sld [smem:$0x3FB7];
	_ =	sdelay $0x3  }
0x34: {  	[smem:$0x3FB7] =	sst s10  }
0x35: {  	s10 =	sld [smem:$0x3FB6];
	_ =	sdelay $0x3  }
0x36: {  	p1 =	seq.s32 s10, $0x1;
	s10 =	sld [smem:$0x3FB7];
	_ =	sdelay $0x3  }
0x37: {  	[smem:$0x3FB7] =	sst s10  }
0x38: {  	s10 =	sld [smem:$0x3FB8]  }
0x39: {  	_ = 	snop;
	(pc) =	sbr.ind lr, $3  }
0x3a: {  	_ = 	snop  }
0x3b: {  	_ = 	snop  }
0x3c: {  	p2 =	seq.s32 s10, $0x1;
	s10 =	sld [smem:$0x3FB7]  }
0x3d: {  	_ =	shalt  }
0x3e: {  	_ =	shalt  }
0x3f: {  	_ =	shalt  }
0x40: {  	_ =	shalt  }
0x41: {  	_ =	shalt  }
0x42: {  	_ =	shalt  }
0x43: {  	_ =	shalt  }
0x44: {  	_ =	shalt  }
0x45: {  	_ =	shalt  }
0x46: {  	_ =	shalt  }
0x47: {  	_ =	shalt  }
0x48: {  	_ =	shalt  }
0x49: {  	_ =	shalt  }
0x4a: {  	_ =	shalt  }
0x4b: {  	_ =	shalt  }
0x4c: {  	_ =	shalt  }
0x4d: {  	_ =	shalt  }
0x4e: {  	_ =	shalt  }
0x4f: {  	_ =	shalt  }
0x50: {  	_ =	shalt  }
0x51: {  	_ =	shalt  }
0x52: {  	_ =	shalt  }
0x53: {  	_ =	shalt  }
0x54: {  	_ =	shalt  }
0x55: {  	_ =	shalt  }
0x56: {  	_ =	shalt  }
0x57: {  	_ =	shalt  }
0x58: {  	_ =	shalt  }
0x59: {  	_ =	shalt  }
0x5a: {  	_ =	shalt  }
0x5b: {  	_ =	shalt  }
0x5c: {  	_ =	shalt  }
0x5d: {  	_ =	shalt  }
0x5e: {  	_ =	shalt  }
0x5f: {  	_ =	shalt  }
0x60: {  	_ =	shalt  }
0x61: {  	_ =	shalt  }
0x62: {  	_ =	shalt  }
0x63: {  	_ =	shalt  }
0x64: {  	_ =	shalt  }
0x65: {  	_ =	shalt  }
0x66: {  	_ =	shalt  }
0x67: {  	_ =	shalt  }
0x68: {  	_ =	shalt  }
0x69: {  	_ =	shalt  }
0x6a: {  	_ =	shalt  }
0x6b: {  	_ =	shalt  }
0x6c: {  	_ =	shalt  }
0x6d: {  	_ =	shalt  }
0x6e: {  	_ =	shalt  }
0x6f: {  	_ =	shalt  }
0x70: {  	_ =	shalt  }
0x71: {  	_ =	shalt  }
0x72: {  	_ =	shalt  }
0x73: {  	_ =	shalt  }
0x74: {  	_ =	shalt  }
0x75: {  	_ =	shalt  }
0x76: {  	_ =	shalt  }
0x77: {  	_ =	shalt  }
0x78: {  	_ =	shalt  }
0x79: {  	_ =	shalt  }
0x7a: {  	_ =	shalt  }
0x7b: {  	_ =	shalt  }
0x7c: {  	_ =	shalt  }
0x7d: {  	_ =	shalt  }
0x7e: {  	_ =	shalt  }
0x7f: {  	_ =	shalt  }
0x80: {  	_ =	shalt  }
0x81: {  	_ =	shalt  }
0x82: {  	_ =	shalt  }
0x83: {  	_ =	shalt  }
0x84: {  	_ =	shalt  }
0x85: {  	_ =	shalt  }
0x86: {  	_ =	shalt  }
0x87: {  	_ =	shalt  }
.Lfunc_end0:
.L_simem_size_0:
called_computation_lowered:
.L_overlay_start_0:
0x88: {  	s2 =	sld [smem:$0x3FD9]  }
0x89: {  	s3 =	sld [smem:$0x3FFE];
	_ =	sdelay $0x1  }
0x8a: {  	s1 =	srdreg.scid  }
0x8b: {  	s0 =	sand.u32 $0x1, s1  }
0x8c: {  	s17 =	sshll.u32 s0, $0xA;
	s2 =	sadd.s32 s3, s2  }
0x8d: {  	s2 =	sadd.s32 s2, s17  }
0x8e: {  	[smem:$0x3FC3] =	sst s2  }
0x8f: {  	_ = 	snop  }
0x90: {  	s2 =	sld [smem:$0x3FC7]  }
0x91: {  	s18 =	sld [smem:$0x3FC6];
	(tm) =	ssettm $0x1  }
0x92: {  	s4 =	sld [smem:$0x3FFB];
	_ =	sdelay $0x3  }
0x93: {  	_ =	strace s4  }
0x94: {  	s4 =	sld [smem:$0x3FFC];
	_ =	sdelay $0x3  }
0x95: {  	_ =	strace s4  }
0x96: {  	s4 =	sld [smem:$0x3FFD];
	_ =	sdelay $0x3  }
0x97: {  	_ =	strace s4  }
0x98: {  	_ =	strace $0x8FFFFFFF  }
0x99: {  	s19 =	sld [smem:$0x3FDB];
	_ =	sdelay $0x1  }
0x9a: {  	s5 =	simm.s32 $_scs_section_size  }
0x9b: {  	s6 =	simm.s32 $_size__tile_overlayer_lowered;
	s7 =	simm.s32 $_tile_overlayer_lowered  }
0x9c: {  	s22 =	simm.s32 $0x1BFF;
	s21 =	sshll.u32 s7, $0x1;
	s4 =	sadd.s32 s5, s19  }
0x9d: {  	s8 =	simm.s32 $0x0;
	s20 =	sshll.u32 s6, $0x1;
	s6 =	sadd.s32 s21, s4  }
0x9e: {  	[timem:s8], [sflag:s22] =	dma.local [hbm:s6], s20  }
0x9f: {  	_ =	swait.ge [sflag:s22], s20  }
0xa0: {  	s5 =	ssub.s32 $0x0, s20;
	[sflag:s22] =	ssyncset.done $0x0  }
0xa1: {  	[sflag:s22] =	ssyncadd.s32 s5;
	_ =	sdelay $0x1  }
0xa2: {  	s23 =	simm.s32 $0x1B8B  }
0xa3: {  	_ =	swait.ge [sflag:s23], $0x1  }
0xa4: {  	[sflag:s23] =	ssyncset.done $0x0  }
0xa5: {  	s25 =	simm.s32 $0x1B8E;
	s24 =	sld [smem:$0x3FFE];
	[sflag:s23] =	ssyncadd.s32 $0xFFFFFFFF  }
0xa6: {  	s26 =	simm.s32 $execute0_lowered;
	[smem:$0x3FD2] =	sst s25  }
0xa7: {  	s6 =	sshll.u32 s26, $0x1;
	_ =	strace $0x80000046;
	[dreg:$0x1] =	wrdreg $0xFFFFFFFF  }
0xa8: {  	s28 =	simm.s32 $_size_execute0_lowered;
	s4 =	sadd.s32 s4, s6;
	[dreg:$0x0] =	wrdreg $0x0  }
0xa9: {  	s6 =	sshll.u32 s28, $0x1;
	[dreg:$0x2] =	wrdreg s4  }
0xaa: {  	[dreg:$0x3] =	wrdreg s6  }
0xab: {  	[dreg:$0x4] =	wrdreg $0xC0  }
0xac: {  	_ =	task [dreg:s8], $0x5FFFF  }
0xad: {  	[dreg:$0x1] =	wrdreg $0xFFFFFFFF  }
0xae: {  	[dreg:$0x0] =	wrdreg $0x60  }
0xaf: {  	[dreg:$0x2] =	wrdreg s24  }
0xb0: {  	[dreg:$0x3] =	wrdreg s2  }
0xb1: {  	[dreg:$0x4] =	wrdreg s18  }
0xb2: {  	[dreg:$0x5] =	wrdreg $0x1FB000  }
0xb3: {  	[dreg:$0x6] =	wrdreg $0x9  }
0xb4: {  	_ =	task.clear_ibuf [dreg:s8], $0x7FFFF;
	_ =	strace $0x90000046  }
0xb5: {  	s29 =	simm.s32 $0x9;
	_ =	strace $0x80000048  }
0xb6: {  	_ =	swait.ge [sflag:s29], $0x1  }
0xb7: {  	[sflag:s29] =	ssyncadd.s32 $0xFFFFFFFF  }
0xb8: {  	_ =	strace $0x90000048  }
0xb9: {  	_ =	sfence  }
0xba: {  	s30 =	sld [smem:$0x0];
	_ =	sdelay $0x2  }
0xbb: {  	s31 =	sshll.u32 s1, $0xD;
	s1 =	sshrl.u32 s1, $0x2  }
0xbc: {  	s3 =	sand.u32 $0x4000, s31;
	s1 =	sadd.s32 s1, s30  }
0xbd: {  	s0 =	sor.u32 s3, s0;
	s1 =	sshll.u32 s1, $0x11  }
0xbe: {  	s0 =	sor.u32 s1, s0  }
0xbf: {  	s0 =	sadd.s32 $0x8F2B, s0  }
0xc0: {  	[sflag:s0] =	ssyncadd.remote.s32 $0x1  }
0xc1: {  	_ =	sfence.sel $0xFFFF  }
0xc2: {  	[dreg:$0x0] =	wrdreg $0xFFFFFFFF;
	(pc) =	sbr.abs _section_cstart, $3  }
0xc3: {  	[dreg:$0x1] =	wrdreg $0xFFFFFFFF  }
0xc4: {  	_ =	task.clear_ibuf [dreg:s8], $0x2FFFF;
	_ =	strace $0x9FFFFFFF  }
0xc5: {  	(tm) =	ssettm $0x7FFFFFFF  }
tec
execute0_lowered:
.L_overlay_start_1:
0x0: {  	(tag) =	ssettag $0x1  }
0x1: {  	s0 =	rddreg [dreg:$0x0]  }
0x2: {  	s1 =	rddreg [dreg:$0x1]  }
0x3: {  	s2 =	rddreg [dreg:$0x2]  }
0x4: {  	s3 =	rddreg [dreg:$0x3]  }
0x5: {  	s5 =	srdreg.scid;
	s13 =	stileid.u32;
	s4 =	simm.s32 $0x0  }
0x6: {  	s17 =	simm.s32 $0x1A700;
	s18 =	simm.s32 $0x3;
	s19 =	simm.s32 $0x18ED0  }
0x7: {  	s20 =	simm.s32 $0x19ED0;
	s21 =	simm.s32 $0x1AED0;
	s22 =	simm.s32 $0x1  }
0x8: {  	s23 =	simm.s32 $0x1B700;
	s24 =	simm.s32 $0x2;
	s25 =	simm.s32 $0x80  }
0x9: {  	s26 =	simm.s32 $0x400;
	s28 =	simm.s32 $0x1F700;
	s29 =	simm.s32 $0x0  }
0xa: {  	s7 =	sand.u32 $0x1, s5;
	s31 =	sshll.u32 s13, $0x1;
	[smem:$0x7FF] =	sst s4  }
0xb: {  	s6 =	sadd.s32 $0x24DA00, s0;
	s12 =	sshll.u32 s13, $0xA;
	s15 =	sshll.u32 s13, $0x7  }
0xc: {  	p0 =	sne.s32 s13, $0x0;
	s5 =	sor.u32 s7, s31;
	_ =	strace $0x80000047  }
0xd: {  	s8 =	ssub.s32 $0x2, s7;
	s7 =	sshll.u32 s7, $0x7;
	s12 =	sand.u32 $0x2000, s12  }
0xe: {  	s15 =	sand.u32 $0x380, s15;
	s11 =	smul.u32 $0x30D40, s5;
	s5 =	sadd.s32 $0x24A800, s0  }
.Ltmp0:
0xf: {  	s9 =	sshrl.u32 s8, $0x1;
	s0 =	sadd.s32 s7, s0;
	(pc) =	sbr.rel .LBB2_1-.Ltmp0, $4  }
0x10: {  	s12 =	sadd.s32 s12, s3;
	s14 =	ssub.s32 s8, s9;
	s0 =	sadd.s32 $0x600, s0  }
0x11: {  	s12 =	sadd.s32 s15, s12;
	s10 =	sshrl.u32 s11, $0x3;
	[dreg:$0x5] =	wrdreg s0  }
0x12: {  	v1 =	vlaneseq.u32;
	s14 =	smax.u32 s14, $0x1;
	s7 =	sadd.s32 s1, s10;
	s8 =	sadd.s32 s2, s10  }
0x13: {  	v0 =	vimm.f32 $0.0e+00;
	v1 =	vmul.u32 $0x400, v1;
	s9 =	sadd.s32 s6, s10;
	s10 =	sadd.s32 $0x7D0, s11;
	s11 =	sadd.s32 $0xFA0, s11  }
.LBB2_19:
0x14: {  	s29 =	sadd.s32 $0x1, s29  }
0x15: {  	p1 =	sne.s32 s29, s14  }
.Ltmp1:
0x16: {  	_ = 	snop;
	(pc) =	sbr.rel @!p1 .LBB2_20-.Ltmp1, $1  }
0x17: {  	_ =	sdelay $0x3  }
.LBB2_1:
0x18: {  	s0 =	simm.s32 $0x18700  }
0x19: {  	[tilespmem:s0], [sflag:$0x1] =	stream.linear.gather [hbm4b:s7+s4], $0x7D0, $0x38;
	[tilespmem:$0x1FF00] =	vst v63  }
0x1a: {  	s31 =	simm.s32 $0x19700  }
0x1b: {  	[tilespmem:s31], [sflag:$0x1] =	stream.linear.gather [hbm4b:s8+s4], $0x7D0, $0x38;
	[tilespmem:$0x1FF00] =	vst v63  }
0x1c: {  	_ = 	snop  }
0x1d: {  	[tilespmem:s17], [sflag:$0x1] =	stream.linear.gather [hbm4b:s9+s4], $0x7D0, $0x38;
	[tilespmem:$0x1FF00] =	vst v63  }
0x1e: {  	_ = 	snop  }
0x1f: {  	[tilespmem:s4], [sflag:$0x3] =	stream.linear.gather [hbm4b:s5+s4], $0x18700, $0x38;
	[tilespmem:$0x1FF00] =	vst v63  }
0x20: {  	_ =	swait.ge [sflag:s18], $0x18700  }
0x21: {  	[sflag:s18] =	ssyncset.done $0x0  }
0x22: {  	s0 =	simm.s32 $0x1B740;
	[sflag:s18] =	ssyncadd.s32 $0xFFFE7900  }
0x23: {  	[tilespmem:s0+$0xFFFFFFC0] =	vst v0  }
0x24: {  	[tilespmem:s0+$0x30] =	vst v0  }
0x25: {  	[tilespmem:s0+$0x20] =	vst v0  }
0x26: {  	[tilespmem:s0+$0x10] =	vst v0  }
0x27: {  	[tilespmem:s0+$0x0] =	vst v0  }
0x28: {  	[tilespmem:s0+$0xFFFFFFF0] =	vst v0  }
0x29: {  	s13 =	simm.s32 $0x0;
	[tilespmem:s0+$0xFFFFFFE0] =	vst v0  }
.LBB2_2:
0x2a: {  	s13 =	sadd.s32 $0x8, s13;
	[tilespmem:s0+$0xFFFFFFD0] =	vst v0;
	s0 =	sadd.s32 $0x80, s0  }
0x2b: {  	[tilespmem:s0+$0xFFFFFFC0] =	vst v0;
	p1 =	slt.u32 s13, $0x3F8  }
0x2c: {  	[tilespmem:s0+$0x30] =	vst v0  }
.Ltmp2:
0x2d: {  	[tilespmem:s0+$0x20] =	vst v0;
	(pc) =	sbr.rel @p1 .LBB2_2-.Ltmp2, $4  }
0x2e: {  	[tilespmem:s0+$0x10] =	vst v0  }
0x2f: {  	[tilespmem:s0+$0x0] =	vst v0  }
0x30: {  	[tilespmem:s0+$0xFFFFFFF0] =	vst v0  }
0x31: {  	[tilespmem:s0+$0xFFFFFFE0] =	vst v0  }
0x32: {  	[tilespmem:s0+$0xFFFFFFD0] =	vst v0;
	s30 =	simm.s32 $0x0  }
.LBB2_4:
0x33: {  	s31 =	smul.u32 $0xFA0, s30;
	_ =	sdelay $0x1  }
0x34: {  	s0 =	sadd.s32 s31, s10  }
0x35: {  	s0 =	sshrl.u32 s0, $0x3  }
0x36: {  	s13 =	sadd.s32 s1, s0  }
0x37: {  	[tilespmem:s19], [sflag:$0x2] =	stream.linear.gather [hbm4b:s13+s4], $0x7D0, $0x38;
	[tilespmem:$0x1FF00] =	vst v63  }
0x38: {  	s15 =	sadd.s32 s2, s0  }
0x39: {  	[tilespmem:s20], [sflag:$0x2] =	stream.linear.gather [hbm4b:s15+s4], $0x7D0, $0x38;
	[tilespmem:$0x1FF00] =	vst v63  }
0x3a: {  	s0 =	sadd.s32 s6, s0  }
0x3b: {  	[tilespmem:s21], [sflag:$0x2] =	stream.linear.gather [hbm4b:s0+s4], $0x7D0, $0x38;
	[tilespmem:$0x1FF00] =	vst v63  }
0x3c: {  	_ =	swait.ge [sflag:s22], $0x7D0  }
0x3d: {  	[sflag:s22] =	ssyncset.done $0x0  }
0x3e: {  	[sflag:s22] =	ssyncadd.s32 $0xFFFFF830  }
0x3f: {  	_ =	swait.ge [sflag:s22], $0x7D0  }
0x40: {  	[sflag:s22] =	ssyncset.done $0x0  }
0x41: {  	[sflag:s22] =	ssyncadd.s32 $0xFFFFF830  }
0x42: {  	_ =	swait.ge [sflag:s22], $0x7D0  }
0x43: {  	[sflag:s22] =	ssyncset.done $0x0  }
0x44: {  	s16 =	simm.s32 $0x18720;
	[sflag:s22] =	ssyncadd.s32 $0xFFFFF830  }
0x45: {  	s0 =	simm.s32 $0x19720;
	v2 =	vld [tilespmem:s16+$0x20]  }
0x46: {  	v3 =	vld [tilespmem:s0+$0x20]  }
0x47: {  	v4 =	vld [tilespmem:s16+$0xFFFFFFF0]  }
0x48: {  	v5 =	vld [tilespmem:s16+$0x0]  }
0x49: {  	v6 =	vld [tilespmem:s16+$0x10]  }
0x4a: {  	v7 =	vld [tilespmem:s16+$0xFFFFFFE0]  }
0x4b: {  	v8 =	vld [tilespmem:s0+$0xFFFFFFE0]  }
0x4c: {  	v9 =	vld [tilespmem:s0+$0xFFFFFFF0]  }
0x4d: {  	v10 =	vld [tilespmem:s0+$0x0]  }
0x4e: {  	s13 =	simm.s32 $0x1A720;
	v11 =	vld [tilespmem:s0+$0x10]  }
0x4f: {  	v12 =	vld [tilespmem:s13+$0x20]  }
0x50: {  	v14 =	vld [tilespmem:s13+$0xFFFFFFE0]  }
0x51: {  	v2 =	vld.idx.msk [tilespmem:v2+s4+$0x0], $0xffff  }
0x52: {  	v3 =	vld.idx.msk [tilespmem:v3+s4+$0x0], $0xffff  }
0x53: {  	v4 =	vld.idx.msk [tilespmem:v4+s4+$0x0], $0xffff  }
0x54: {  	v8 =	vld.idx.msk [tilespmem:v8+s4+$0x0], $0xffff  }
0x55: {  	v7 =	vld.idx.msk [tilespmem:v7+s4+$0x0], $0xffff  }
0x56: {  	v5 =	vld.idx.msk [tilespmem:v5+s4+$0x0], $0xffff  }
0x57: {  	v9 =	vld.idx.msk [tilespmem:v9+s4+$0x0], $0xffff;
	v13 =	vand.u32 $0xFFFF0000, v2;
	v3 =	vand.u32 $0xFFFF0000, v3  }
0x58: {  	v6 =	vld.idx.msk [tilespmem:v6+s4+$0x0], $0xffff;
	v2 =	vand.u32 $0xFFFF, v2;
	v3 =	vmul.f32 v3, v13  }
0x59: {  	v10 =	vld.idx.msk [tilespmem:v10+s4+$0x0], $0xffff;
	v8 =	vand.u32 $0xFFFF0000, v8;
	v62 =	vadd.s32 v1, v2;
	v2 =	vand.u32 $0xFFFF, v4  }
0x5a: {  	v11 =	vld.idx.msk [tilespmem:v11+s4+$0x0], $0xffff;
	v12 =	vmul.f32 v3, v12;
	v3 =	vand.u32 $0xFFFF0000, v7;
	v7 =	vand.u32 $0xFFFF, v7  }
0x5b: {  	v15 =	vld [tilespmem:s13+$0xFFFFFFF0];
	v4 =	vand.u32 $0xFFFF0000, v4;
	v16 =	vadd.s32 v1, v7;
	v7 =	vand.u32 $0xFFFF, v5  }
0x5c: {  	v17 =	vld [tilespmem:s13+$0x0];
	v8 =	vmul.f32 v8, v3;
	v3 =	vadd.s32 v1, v7;
	v7 =	vand.u32 $0xFFFF0000, v9  }
0x5d: {  	v18 =	vand.u32 $0xFFFF0000, v6;
	v6 =	vand.u32 $0xFFFF, v6;
	v9 =	vmul.f32 v7, v4;
	v7 =	vld [tilespmem:s13+$0x10]  }
0x5e: {  	v5 =	vand.u32 $0xFFFF0000, v5;
	v4 =	vand.u32 $0xFFFF0000, v10;
	v63 =	vmul.f32 v8, v14  }
0x5f: {  	v10 =	vmul.f32 v4, v5;
	v4 =	vadd.s32 v1, v6;
	v6 =	vand.u32 $0xFFFF0000, v11  }
0x60: {  	v2 =	vadd.s32 v1, v2;
	[tilespmem:v62+s23+$0x0] =	vst.idx.add.f32.msk $0xffff, v12;
	v8 =	vmul.f32 v6, v18  }
0x61: {  	s15 =	simm.s32 $0x0;
	s16 =	simm.s32 $0x18770;
	v5 =	vmul.f32 v9, v15;
	[tilespmem:v16+s23+$0x0] =	vst.idx.add.f32.msk $0xffff, v63;
	v6 =	vmul.f32 v10, v17  }
.LBB2_5:
0x62: {  	v9 =	vld [tilespmem:s16+$0x20];
	s15 =	sadd.s32 $0x5, s15;
	v10 =	vmul.f32 v8, v7;
	s0 =	sadd.s32 $0x50, s0  }
0x63: {  	v7 =	vld [tilespmem:s0+$0x20];
	p1 =	slt.u32 s15, $0x78  }
0x64: {  	v8 =	vld [tilespmem:s16+$0xFFFFFFF0]  }
0x65: {  	v11 =	vld [tilespmem:s16+$0x0]  }
0x66: {  	v12 =	vld [tilespmem:s16+$0x10]  }
0x67: {  	v13 =	vld [tilespmem:s16+$0xFFFFFFE0]  }
0x68: {  	v14 =	vld [tilespmem:s0+$0xFFFFFFE0]  }
0x69: {  	v15 =	vld [tilespmem:s0+$0xFFFFFFF0]  }
0x6a: {  	v9 =	vld.idx.msk [tilespmem:v9+s4+$0x0], $0xffff  }
0x6b: {  	v7 =	vld.idx.msk [tilespmem:v7+s4+$0x0], $0xffff  }
0x6c: {  	v16 =	vld [tilespmem:s0+$0x0]  }
0x6d: {  	v17 =	vld [tilespmem:s0+$0x10]  }
0x6e: {  	s13 =	sadd.s32 $0x50, s13;
	v8 =	vld.idx.msk [tilespmem:v8+s4+$0x0], $0xffff  }
0x6f: {  	v18 =	vld [tilespmem:s13+$0x20]  }
0x70: {  	v19 =	vand.u32 $0xFFFF, v9;
	v13 =	vld.idx.msk [tilespmem:v13+s4+$0x0], $0xffff  }
0x71: {  	v9 =	vand.u32 $0xFFFF0000, v9;
	v7 =	vand.u32 $0xFFFF0000, v7;
	v19 =	vadd.s32 v1, v19;
	v11 =	vld.idx.msk [tilespmem:v11+s4+$0x0], $0xffff  }
0x72: {  	v7 =	vmul.f32 v7, v9;
	v12 =	vld.idx.msk [tilespmem:v12+s4+$0x0], $0xffff  }
0x73: {  	v9 =	vld.idx.msk [tilespmem:v14+s4+$0x0], $0xffff  }
0x74: {  	v14 =	vld.idx.msk [tilespmem:v15+s4+$0x0], $0xffff;
	v15 =	vand.u32 $0xFFFF0000, v8;
	v8 =	vand.u32 $0xFFFF, v8;
	v7 =	vmul.f32 v7, v18  }
0x75: {  	v8 =	vadd.s32 v1, v8;
	v16 =	vld.idx.msk [tilespmem:v16+s4+$0x0], $0xffff  }
0x76: {  	v18 =	vand.u32 $0xFFFF0000, v13;
	v13 =	vand.u32 $0xFFFF, v13;
	[tilespmem:v19+s23+$0x0] =	vst.idx.add.f32.msk $0xffff, v7  }
0x77: {  	v13 =	vadd.s32 v1, v13;
	v19 =	vand.u32 $0xFFFF0000, v11;
	v7 =	vand.u32 $0xFFFF, v11;
	v11 =	vld.idx.msk [tilespmem:v17+s4+$0x0], $0xffff  }
0x78: {  	v20 =	vadd.s32 v1, v7;
	v21 =	vand.u32 $0xFFFF0000, v12;
	v7 =	vand.u32 $0xFFFF, v12;
	v17 =	vld [tilespmem:s13+$0xFFFFFFE0]  }
0x79: {  	v9 =	vand.u32 $0xFFFF0000, v9;
	v22 =	vadd.s32 v1, v7;
	v12 =	vld [tilespmem:s13+$0xFFFFFFF0]  }
0x7a: {  	v9 =	vmul.f32 v9, v18;
	v7 =	vand.u32 $0xFFFF0000, v14;
	v14 =	vld [tilespmem:s13+$0x0]  }
.Ltmp3:
0x7b: {  	v15 =	vmul.f32 v7, v15;
	v16 =	vand.u32 $0xFFFF0000, v16;
	v7 =	vld [tilespmem:s13+$0x10];
	(pc) =	sbr.rel @p1 .LBB2_5-.Ltmp3, $4  }
0x7c: {  	v16 =	vmul.f32 v16, v19;
	[tilespmem:v2+s23+$0x0] =	vst.idx.add.f32.msk $0xffff, v5;
	v2 =	vmov v8  }
0x7d: {  	v8 =	vand.u32 $0xFFFF0000, v11;
	v9 =	vmul.f32 v9, v17;
	[tilespmem:v3+s23+$0x0] =	vst.idx.add.f32.msk $0xffff, v6;
	v3 =	vmov v20  }
0x7e: {  	v8 =	vmul.f32 v8, v21;
	v5 =	vmul.f32 v15, v12;
	[tilespmem:v4+s23+$0x0] =	vst.idx.add.f32.msk $0xffff, v10;
	v4 =	vmov v22  }
0x7f: {  	s16 =	sadd.s32 $0x50, s16;
	[tilespmem:v13+s23+$0x0] =	vst.idx.add.f32.msk $0xffff, v9;
	v6 =	vmul.f32 v16, v14  }
0x80: {  	_ =	sdelay $0x2  }
0x81: {  	p1 =	seq.s32 s30, $0x31  }
0x82: {  	v7 =	vmul.f32 v8, v7;
	[tilespmem:v2+s23+$0x0] =	vst.idx.add.f32.msk $0xffff, v5;
	s0 =	sadd.s32 @!p1 s31, s11  }
0x83: {  	[tilespmem:v3+s23+$0x0] =	vst.idx.add.f32.msk $0xffff, v6;
	s0 =	sshrl.u32 @!p1 s0, $0x3  }
0x84: {  	s15 =	simm.s32 @!p1 $0x0;
	s16 =	simm.s32 @!p1 $0x18700;
	[tilespmem:v4+s23+$0x0] =	vst.idx.add.f32.msk $0xffff, v7;
	s13 =	sadd.s32 @!p1 s1, s0  }
0x85: {  	[tilespmem:s16], [sflag:$0x1] =	stream.linear.gather @!p1 [hbm4b:s13+s15], $0x7D0, $0x38;
	[tilespmem:$0x1FF00] =	vst v63  }
0x86: {  	s13 =	sadd.s32 @!p1 s2, s0;
	s16 =	simm.s32 @!p1 $0x19700  }
0x87: {  	[tilespmem:s16], [sflag:$0x1] =	stream.linear.gather @!p1 [hbm4b:s13+s15], $0x7D0, $0x38;
	[tilespmem:$0x1FF00] =	vst v63  }
0x88: {  	s0 =	sadd.s32 @!p1 s6, s0;
	s13 =	simm.s32 @!p1 $0x1A700  }
0x89: {  	[tilespmem:s13], [sflag:$0x1] =	stream.linear.gather @!p1 [hbm4b:s0+s15], $0x7D0, $0x38;
	[tilespmem:$0x1FF00] =	vst v63  }
0x8a: {  	_ =	swait.ge [sflag:s24], $0x7D0  }
0x8b: {  	[sflag:s24] =	ssyncset.done $0x0  }
0x8c: {  	[sflag:s24] =	ssyncadd.s32 $0xFFFFF830  }
0x8d: {  	_ =	swait.ge [sflag:s24], $0x7D0  }
0x8e: {  	[sflag:s24] =	ssyncset.done $0x0  }
0x8f: {  	[sflag:s24] =	ssyncadd.s32 $0xFFFFF830  }
0x90: {  	_ =	swait.ge [sflag:s24], $0x7D0  }
0x91: {  	[sflag:s24] =	ssyncset.done $0x0  }
0x92: {  	s31 =	simm.s32 $0x18F10;
	[sflag:s24] =	ssyncadd.s32 $0xFFFFF830  }
0x93: {  	s0 =	simm.s32 $0x19F10;
	v2 =	vld [tilespmem:s31+$0x0]  }
0x94: {  	v3 =	vld [tilespmem:s0+$0x0]  }
0x95: {  	v4 =	vld [tilespmem:s31+$0xFFFFFFD0]  }
0x96: {  	v5 =	vld [tilespmem:s31+$0xFFFFFFE0]  }
0x97: {  	v6 =	vld [tilespmem:s31+$0xFFFFFFF0]  }
0x98: {  	v7 =	vld [tilespmem:s31+$0xFFFFFFC0]  }
0x99: {  	v8 =	vld [tilespmem:s0+$0xFFFFFFC0]  }
0x9a: {  	v9 =	vld [tilespmem:s0+$0xFFFFFFD0]  }
0x9b: {  	v10 =	vld [tilespmem:s0+$0xFFFFFFE0]  }
0x9c: {  	s13 =	simm.s32 $0x1AF10;
	v11 =	vld [tilespmem:s0+$0xFFFFFFF0]  }
0x9d: {  	v12 =	vld [tilespmem:s13+$0x0]  }
0x9e: {  	v14 =	vld [tilespmem:s13+$0xFFFFFFC0]  }
0x9f: {  	v2 =	vld.idx.msk [tilespmem:v2+s4+$0x0], $0xffff  }
0xa0: {  	v3 =	vld.idx.msk [tilespmem:v3+s4+$0x0], $0xffff  }
0xa1: {  	v4 =	vld.idx.msk [tilespmem:v4+s4+$0x0], $0xffff  }
0xa2: {  	v8 =	vld.idx.msk [tilespmem:v8+s4+$0x0], $0xffff  }
0xa3: {  	v7 =	vld.idx.msk [tilespmem:v7+s4+$0x0], $0xffff  }
0xa4: {  	v5 =	vld.idx.msk [tilespmem:v5+s4+$0x0], $0xffff  }
0xa5: {  	v9 =	vld.idx.msk [tilespmem:v9+s4+$0x0], $0xffff;
	v13 =	vand.u32 $0xFFFF0000, v2;
	v3 =	vand.u32 $0xFFFF0000, v3  }
0xa6: {  	v6 =	vld.idx.msk [tilespmem:v6+s4+$0x0], $0xffff;
	v2 =	vand.u32 $0xFFFF, v2;
	v3 =	vmul.f32 v3, v13  }
0xa7: {  	v10 =	vld.idx.msk [tilespmem:v10+s4+$0x0], $0xffff;
	v8 =	vand.u32 $0xFFFF0000, v8;
	v62 =	vadd.s32 v1, v2;
	v2 =	vand.u32 $0xFFFF, v4  }
0xa8: {  	v11 =	vld.idx.msk [tilespmem:v11+s4+$0x0], $0xffff;
	v12 =	vmul.f32 v3, v12;
	v3 =	vand.u32 $0xFFFF0000, v7;
	v7 =	vand.u32 $0xFFFF, v7  }
0xa9: {  	v15 =	vld [tilespmem:s13+$0xFFFFFFD0];
	v4 =	vand.u32 $0xFFFF0000, v4;
	v16 =	vadd.s32 v1, v7;
	v7 =	vand.u32 $0xFFFF, v5  }
0xaa: {  	v17 =	vld [tilespmem:s13+$0xFFFFFFE0];
	v8 =	vmul.f32 v8, v3;
	v3 =	vadd.s32 v1, v7;
	v7 =	vand.u32 $0xFFFF0000, v9  }
0xab: {  	v18 =	vand.u32 $0xFFFF0000, v6;
	v6 =	vand.u32 $0xFFFF, v6;
	v9 =	vmul.f32 v7, v4;
	v7 =	vld [tilespmem:s13+$0xFFFFFFF0]  }
0xac: {  	v5 =	vand.u32 $0xFFFF0000, v5;
	v4 =	vand.u32 $0xFFFF0000, v10;
	v63 =	vmul.f32 v8, v14  }
0xad: {  	v10 =	vmul.f32 v4, v5;
	v4 =	vadd.s32 v1, v6;
	v6 =	vand.u32 $0xFFFF0000, v11  }
0xae: {  	v2 =	vadd.s32 v1, v2;
	[tilespmem:v62+s23+$0x0] =	vst.idx.add.f32.msk $0xffff, v12;
	v8 =	vmul.f32 v6, v18  }
0xaf: {  	s16 =	simm.s32 $0x18F60;
	s15 =	simm.s32 $0x0;
	v5 =	vmul.f32 v9, v15;
	[tilespmem:v16+s23+$0x0] =	vst.idx.add.f32.msk $0xffff, v63;
	v6 =	vmul.f32 v10, v17  }
.LBB2_7:
0xb0: {  	v9 =	vld [tilespmem:s16+$0x0];
	s15 =	sadd.s32 $0x5, s15;
	v10 =	vmul.f32 v8, v7;
	s0 =	sadd.s32 $0x50, s0  }
0xb1: {  	v7 =	vld [tilespmem:s0+$0x0];
	p1 =	slt.u32 s15, $0x78  }
0xb2: {  	v8 =	vld [tilespmem:s16+$0xFFFFFFD0]  }
0xb3: {  	v11 =	vld [tilespmem:s16+$0xFFFFFFE0]  }
0xb4: {  	v12 =	vld [tilespmem:s16+$0xFFFFFFF0]  }
0xb5: {  	v13 =	vld [tilespmem:s16+$0xFFFFFFC0]  }
0xb6: {  	v14 =	vld [tilespmem:s0+$0xFFFFFFC0]  }
0xb7: {  	v15 =	vld [tilespmem:s0+$0xFFFFFFD0]  }
0xb8: {  	v9 =	vld.idx.msk [tilespmem:v9+s4+$0x0], $0xffff  }
0xb9: {  	v7 =	vld.idx.msk [tilespmem:v7+s4+$0x0], $0xffff  }
0xba: {  	v16 =	vld [tilespmem:s0+$0xFFFFFFE0]  }
0xbb: {  	v17 =	vld [tilespmem:s0+$0xFFFFFFF0]  }
0xbc: {  	s13 =	sadd.s32 $0x50, s13;
	v8 =	vld.idx.msk [tilespmem:v8+s4+$0x0], $0xffff  }
0xbd: {  	v18 =	vld [tilespmem:s13+$0x0]  }
0xbe: {  	v19 =	vand.u32 $0xFFFF, v9;
	v13 =	vld.idx.msk [tilespmem:v13+s4+$0x0], $0xffff  }
0xbf: {  	v9 =	vand.u32 $0xFFFF0000, v9;
	v7 =	vand.u32 $0xFFFF0000, v7;
	v19 =	vadd.s32 v1, v19;
	v11 =	vld.idx.msk [tilespmem:v11+s4+$0x0], $0xffff  }
0xc0: {  	v7 =	vmul.f32 v7, v9;
	v12 =	vld.idx.msk [tilespmem:v12+s4+$0x0], $0xffff  }
0xc1: {  	v9 =	vld.idx.msk [tilespmem:v14+s4+$0x0], $0xffff  }
0xc2: {  	v14 =	vld.idx.msk [tilespmem:v15+s4+$0x0], $0xffff;
	v15 =	vand.u32 $0xFFFF0000, v8;
	v8 =	vand.u32 $0xFFFF, v8;
	v7 =	vmul.f32 v7, v18  }
0xc3: {  	v8 =	vadd.s32 v1, v8;
	v16 =	vld.idx.msk [tilespmem:v16+s4+$0x0], $0xffff  }
0xc4: {  	v18 =	vand.u32 $0xFFFF0000, v13;
	v13 =	vand.u32 $0xFFFF, v13;
	[tilespmem:v19+s23+$0x0] =	vst.idx.add.f32.msk $0xffff, v7  }
0xc5: {  	v13 =	vadd.s32 v1, v13;
	v19 =	vand.u32 $0xFFFF0000, v11;
	v7 =	vand.u32 $0xFFFF, v11;
	v11 =	vld.idx.msk [tilespmem:v17+s4+$0x0], $0xffff  }
0xc6: {  	v20 =	vadd.s32 v1, v7;
	v21 =	vand.u32 $0xFFFF0000, v12;
	v7 =	vand.u32 $0xFFFF, v12;
	v17 =	vld [tilespmem:s13+$0xFFFFFFC0]  }
0xc7: {  	v9 =	vand.u32 $0xFFFF0000, v9;
	v22 =	vadd.s32 v1, v7;
	v12 =	vld [tilespmem:s13+$0xFFFFFFD0]  }
0xc8: {  	v9 =	vmul.f32 v9, v18;
	v7 =	vand.u32 $0xFFFF0000, v14;
	v14 =	vld [tilespmem:s13+$0xFFFFFFE0]  }
.Ltmp4:
0xc9: {  	v15 =	vmul.f32 v7, v15;
	v16 =	vand.u32 $0xFFFF0000, v16;
	v7 =	vld [tilespmem:s13+$0xFFFFFFF0];
	(pc) =	sbr.rel @p1 .LBB2_7-.Ltmp4, $4  }
0xca: {  	v16 =	vmul.f32 v16, v19;
	[tilespmem:v2+s23+$0x0] =	vst.idx.add.f32.msk $0xffff, v5;
	v2 =	vmov v8  }
0xcb: {  	v8 =	vand.u32 $0xFFFF0000, v11;
	v9 =	vmul.f32 v9, v17;
	[tilespmem:v3+s23+$0x0] =	vst.idx.add.f32.msk $0xffff, v6;
	v3 =	vmov v20  }
0xcc: {  	v8 =	vmul.f32 v8, v21;
	v5 =	vmul.f32 v15, v12;
	[tilespmem:v4+s23+$0x0] =	vst.idx.add.f32.msk $0xffff, v10;
	v4 =	vmov v22  }
0xcd: {  	s16 =	sadd.s32 $0x50, s16;
	[tilespmem:v13+s23+$0x0] =	vst.idx.add.f32.msk $0xffff, v9;
	v6 =	vmul.f32 v16, v14  }
0xce: {  	s30 =	sadd.s32 $0x1, s30  }
0xcf: {  	p1 =	sne.s32 s30, $0x32  }
.Ltmp5:
0xd0: {  	_ = 	snop;
	(pc) =	sbr.rel @p1 .LBB2_4-.Ltmp5, $4  }
0xd1: {  	_ = 	snop  }
0xd2: {  	v7 =	vmul.f32 v8, v7;
	[tilespmem:v2+s23+$0x0] =	vst.idx.add.f32.msk $0xffff, v5  }
0xd3: {  	[tilespmem:v3+s23+$0x0] =	vst.idx.add.f32.msk $0xffff, v6  }
0xd4: {  	[tilespmem:v4+s23+$0x0] =	vst.idx.add.f32.msk $0xffff, v7  }
0xd5: {  	s0 =	simm.s32 $0x1  }
.LBB2_10:
0xd6: {  	s13 =	sshll.u32 s0, $0xA  }
0xd7: {  	s15 =	simm.s32 $0x0;
	s13 =	sand.u32 $0x3FFFFC00, s13  }
0xd8: {  	s16 =	sand.u32 $0x380, s15;
	s13 =	sadd.s32 $0x1B700, s13  }
0xd9: {  	s15 =	sand.u32 $0x70, s15;
	s16 =	sadd.s32 s16, s13  }
0xda: {  	s16 =	sadd.s32 s15, s16  }
0xdb: {  	s15 =	simm.s32 $0x1B700;
	v2 =	vld [tilespmem:s16+$0x0]  }
0xdc: {  	v3 =	vld [tilespmem:s15+$0x0];
	_ =	sdelay $0x3  }
0xdd: {  	s16 =	simm.s32 $0x10  }
0xde: {  	s31 =	sand.u32 $0x380, s16;
	v2 =	vadd.f32 v2, v3  }
0xdf: {  	s30 =	sand.u32 $0x70, s16;
	s16 =	simm.s32 $0x20;
	s31 =	sadd.s32 s31, s13  }
.LBB2_11:
0xe0: {  	p1 =	sne.s32 s16, $0x3F0;
	s30 =	sadd.s32 s30, s31;
	[tilespmem:s15+$0x0] =	vst v2  }
0xe1: {  	s15 =	sadd.s32 $0x10, s15;
	v2 =	vld [tilespmem:s30+$0x0]  }
0xe2: {  	v3 =	vld [tilespmem:s15+$0x0];
	_ =	sdelay $0x1  }
.Ltmp6:
0xe3: {  	(pc) =	sbr.rel @p1 .LBB2_11-.Ltmp6, $3  }
0xe4: {  	_ =	sdelay $0x1  }
0xe5: {  	s31 =	sand.u32 $0x380, s16;
	v2 =	vadd.f32 v2, v3  }
0xe6: {  	s30 =	sand.u32 $0x70, s16;
	s31 =	sadd.s32 s31, s13;
	s16 =	sadd.s32 $0x10, s16  }
0xe7: {  	s13 =	sadd.s32 s30, s31;
	[tilespmem:s15+$0x0] =	vst v2  }
0xe8: {  	s31 =	sadd.s32 $0x10, s15;
	v2 =	vld [tilespmem:s13+$0x0]  }
0xe9: {  	v3 =	vld [tilespmem:s31+$0x0]  }
0xea: {  	s0 =	sadd.s32 $0x1, s0  }
0xeb: {  	p1 =	sne.s32 s0, $0x10  }
.Ltmp7:
0xec: {  	_ = 	snop;
	(pc) =	sbr.rel @p1 .LBB2_10-.Ltmp7, $3  }
0xed: {  	_ = 	snop  }
0xee: {  	v2 =	vadd.f32 v2, v3;
	_ =	sdelay $0x1  }
0xef: {  	[tilespmem:s31+$0x0] =	vst v2  }
0xf0: {  	[spmem:s12] =	stream.strided.scatter [tilespmem:s23], [sflag:$0x3], $0x400, s26, s25, $0x38;
	[tilespmem:$0x1FF00] =	vst v63  }
.Ltmp8:
0xf1: {  	_ =	swait.ge [sflag:s18], $0x400;
	(pc) =	sbr.rel @p0 .LBB2_19-.Ltmp8, $3  }
0xf2: {  	[sflag:s18] =	ssyncset.done $0x0  }
0xf3: {  	[sflag:s18] =	ssyncadd.s32 $0xFFFFFC00  }
0xf4: {  	[bflag:$0x0] =	sbarrier.arrive $0xFFFF;
	_ =	sdelay $0x1  }
0xf5: {  	s0 =	simm.s32 $0x1  }
.LBB2_15:
0xf6: {  	s13 =	sshll.u32 s0, $0xA  }
0xf7: {  	s15 =	sshll.u32 s0, $0x7;
	s13 =	sand.u32 $0x2000, s13  }
0xf8: {  	s15 =	sand.u32 $0x380, s15;
	s13 =	sadd.s32 s13, s3  }
0xf9: {  	s13 =	sadd.s32 s15, s13  }
0xfa: {  	[tilespmem:s28], [sflag:$0x3] =	stream.strided.gather [spmem:s13], $0x400, s26, s25, $0x38;
	[tilespmem:$0x1FF00] =	vst v63  }
0xfb: {  	_ =	swait.ge [sflag:s18], $0x400  }
0xfc: {  	[sflag:s18] =	ssyncset.done $0x0  }
0xfd: {  	s13 =	simm.s32 $0x0;
	[sflag:s18] =	ssyncadd.s32 $0xFFFFFC00  }
0xfe: {  	s15 =	simm.s32 $0x40;
	v2 =	vld [tilespmem:s13+$0x1F700]  }
.LBB2_16:
0xff: {  	p1 =	sne.s32 s15, $0xFC0;
	v3 =	vld [tilespmem:s13+$0x1B700];
	_ =	sdelay $0x2  }
.Ltmp9:
0x100: {  	(pc) =	sbr.rel @p1 .LBB2_16-.Ltmp9, $4  }
0x101: {  	_ = 	snop  }
0x102: {  	v3 =	vadd.f32 v2, v3  }
0x103: {  	s16 =	sshra.s32 s15, $0x2  }
0x104: {  	s15 =	sadd.s32 $0x40, s15;
	v2 =	vld [tilespmem:s16+$0x1F700];
	[tilespmem:s13+$0x1B700] =	vst v3;
	s13 =	smov.u32 s16  }
0x105: {  	v3 =	vld [tilespmem:s13+$0x1B700]  }
0x106: {  	s0 =	sadd.s32 $0x1, s0  }
0x107: {  	p1 =	sne.s32 s0, $0x10  }
.Ltmp10:
0x108: {  	_ = 	snop;
	(pc) =	sbr.rel @p1 .LBB2_15-.Ltmp10, $3  }
0x109: {  	_ = 	snop  }
0x10a: {  	v2 =	vadd.f32 v2, v3;
	_ =	sdelay $0x1  }
0x10b: {  	[tilespmem:s13+$0x1B700] =	vst v2  }
.Ltmp11:
0x10c: {  	s0 =	rddreg [dreg:$0x5];
	(pc) =	sbr.rel .LBB2_19-.Ltmp11, $4  }
0x10d: {  	[hbm4b:s0+s4] =	stream.linear.scatter [tilespmem:s23], [sflag:$0x3], $0x400, $0x38;
	[tilespmem:$0x1FF00] =	vst v63  }
0x10e: {  	_ =	swait.ge [sflag:s18], $0x400  }
0x10f: {  	[sflag:s18] =	ssyncset.done $0x0  }
0x110: {  	[sflag:s18] =	ssyncadd.s32 $0xFFFFFC00  }
.LBB2_20:
0x111: {  	_ =	sfence.sel $0x180000  }
0x112: {  	[bflag:$0x0] =	sbarrier.arrive $0xFFFF  }
0x113: {  	_ =	strace $0x90000047  }
0x114: {  	[bflag:$0x2] =	sbarrier.arrive $0xFFFF  }
0x115: {  	s0 =	rddreg [dreg:$0x4]  }
0x116: {  	s0 =	sadd.s32 @!p0 $0x100000, s0  }
0x117: {  	[sflag:s0] =	ssyncadd.tile.s32 @!p0 $0x1;
	_ =	shalt  }
.Lfunc_end2:
_tile_overlayer_lowered:
.L_overlay_start_2:
0x118: {  	(tag) =	ssettag $0x2  }
0x119: {  	s0 =	rddreg [dreg:$0x0];
	s2 =	stileid.u32  }
0x11a: {  	s1 =	rddreg [dreg:$0x1];
	p0 =	sne.s32 s2, $0x0  }
0x11b: {  	s3 =	rddreg [dreg:$0x2];
	[bflag:$0x3] =	sbarrier.arrive $0xFFFF;
	s2 =	simm.s32 @!p0 $0x1C03  }
0x11c: {  	[timem:s3], [sflag:s2] =	dma.local @!p0 [hbm:s0], s1  }
0x11d: {  	s0 =	simm.s32 @!p0 $0x3  }
0x11e: {  	_ =	swait.ge @!p0 [sflag:s0], s1  }
0x11f: {  	s1 =	ssub.s32 @!p0 $0x0, s1;
	[sflag:s0] =	ssyncset.done @!p0 $0x0  }
0x120: {  	[sflag:s0] =	ssyncadd.s32 @!p0 s1  }
0x121: {  	[bflag:$0x3] =	sbarrier.arrive $0xFFFF  }
0x122: {  	_ =	shalt  }

</sc_bundles>
